<compile_context>
chip_gen: v7x
topology: tpu7x:2x2x1
jax: 0.10.2.dev20260603
libtpu: 0.0.44.dev20260713+nightly
codegen_flags: <defaults>
</compile_context>

<pallas_src>
import functools

import jax
import jax.numpy as jnp
from jax import lax
from jax.experimental import pallas as pl
from jax.experimental.pallas import tpu as pltpu
from jax.experimental.pallas import tpu_sc as plsc


def _xw_body(n_nodes, x_ref, w_ref, kid_ref, src_ref, xw_ref, gidx_ref):
    xw_ref[0] = jnp.dot(x_ref[...], w_ref[0],
                        preferred_element_type=jnp.float32)

    @pl.when(pl.program_id(0) == 0)
    def _():
        gidx_ref[...] = kid_ref[...] * n_nodes + src_ref[...]


def _make_xw_call(K, N, C, ER):
    return pl.pallas_call(
        functools.partial(_xw_body, N),
        grid=(K,),
        in_specs=[
            pl.BlockSpec((N, C), lambda k: (0, 0)),
            pl.BlockSpec((1, C, C), lambda k: (k, 0, 0)),
            pl.BlockSpec((ER, 128), lambda k: (0, 0)),
            pl.BlockSpec((ER, 128), lambda k: (0, 0)),
        ],
        out_specs=[
            pl.BlockSpec((1, N, C), lambda k: (k, 0, 0)),
            pl.BlockSpec((ER, 128), lambda k: (0, 0)),
        ],
        out_shape=[
            jax.ShapeDtypeStruct((K, N, C), jnp.float32),
            jax.ShapeDtypeStruct((ER, 128), jnp.int32),
        ],
    )


def _make_sc_call(N, C, E, B):
    NW = 32
    epw = E // NW
    nch = epw // B
    DEPTH = 4
    H = 2
    ngo = (nch + DEPTH - 1) // DEPTH
    sr = 640
    sr_last = N - 15 * sr

    mesh = plsc.VectorSubcoreMesh(core_axis_name="c", subcore_axis_name="s")

    @functools.partial(
        pl.kernel,
        out_type=jax.ShapeDtypeStruct((2, N, C), jnp.float32),
        mesh=mesh,
        scratch_types=[
            pltpu.VMEM_SHARED((N, C), jnp.float32),
            [pltpu.VMEM((B,), jnp.int32)] * DEPTH,
            [pltpu.VMEM((B,), jnp.int32)] * DEPTH,
            [pltpu.VMEM((B, C), jnp.float32)] * DEPTH,
            [pltpu.SemaphoreType.DMA] * DEPTH,
            [pltpu.SemaphoreType.DMA] * DEPTH,
            [pltpu.SemaphoreType.DMA] * DEPTH,
        ],
    )
    def sc_call(xw_hbm, gidx_hbm, dst_hbm, zeros_hbm, out_hbm,
                slab, gbufs, dbufs, rows, isems, dsems, gsems):
        c = lax.axis_index("c")
        s = lax.axis_index("s")
        w = c * 16 + s
        ebase = w * epw

        def stage_idx(q, d):
            base = pl.multiple_of(ebase + q * B, 8)
            pltpu.async_copy(gidx_hbm.at[pl.ds(base, B)], gbufs[d], isems[d])
            pltpu.async_copy(dst_hbm.at[pl.ds(base, B)], dbufs[d], dsems[d])

        def wait_idx(d):
            pltpu.make_async_copy(gidx_hbm.at[pl.ds(0, B)],
                                  gbufs[d], isems[d]).wait()
            pltpu.make_async_copy(dst_hbm.at[pl.ds(0, B)],
                                  dbufs[d], dsems[d]).wait()

        @pl.when(s < 15)
        def _():
            pltpu.sync_copy(zeros_hbm.at[pl.ds(s * sr, sr)],
                            slab.at[pl.ds(s * sr, sr)])

        @pl.when(s == 15)
        def _():
            pltpu.sync_copy(zeros_hbm.at[pl.ds(15 * sr, sr_last)],
                            slab.at[pl.ds(15 * sr, sr_last)])

        for q in range(DEPTH):
            stage_idx(q, q)
        plsc.subcore_barrier()
        for q in range(H):
            wait_idx(q)
            pltpu.async_copy(xw_hbm.at[gbufs[q]], rows[q], gsems[q])

        def body(go, carry):
            for d in range(DEPTH):
                g = go * DEPTH + d
                dh = (d + H) % DEPTH

                @pl.when(g + H < nch)
                def _():
                    wait_idx(dh)
                    pltpu.async_copy(xw_hbm.at[gbufs[dh]], rows[dh],
                                     gsems[dh])

                @pl.when(g < nch)
                def _():
                    pltpu.make_async_copy(xw_hbm.at[gbufs[d]], rows[d],
                                          gsems[d]).wait()
                    pltpu.sync_copy(rows[d], slab.at[dbufs[d]], add=True)

                @pl.when(g + DEPTH < nch)
                def _():
                    stage_idx(g + DEPTH, d)
            return carry

        lax.fori_loop(0, ngo, body, 0)

        plsc.subcore_barrier()

        @pl.when(s < 15)
        def _():
            pltpu.sync_copy(slab.at[pl.ds(s * sr, sr)],
                            out_hbm.at[c].at[pl.ds(s * sr, sr)])

        @pl.when(s == 15)
        def _():
            pltpu.sync_copy(slab.at[pl.ds(15 * sr, sr_last)],
                            out_hbm.at[c].at[pl.ds(15 * sr, sr_last)])

    return sc_call


def _bn_body(n_nodes, p_ref, gamma_ref, beta_ref, o_ref):
    out = p_ref[0] + p_ref[1]
    mean = jnp.mean(out, axis=0, keepdims=True)
    ctr = out - mean
    var = jnp.mean(ctr * ctr, axis=0, keepdims=True)
    y = ctr * lax.rsqrt(var + 1e-5) * gamma_ref[...] + beta_ref[...]
    o_ref[...] = jnp.maximum(y, 0.0)


def _make_bn_call(N, C):
    return pl.pallas_call(
        functools.partial(_bn_body, N),
        in_specs=[
            pl.BlockSpec((2, N, C), lambda: (0, 0, 0)),
            pl.BlockSpec((1, C), lambda: (0, 0)),
            pl.BlockSpec((1, C), lambda: (0, 0)),
        ],
        out_specs=pl.BlockSpec((N, C), lambda: (0, 0)),
        out_shape=jax.ShapeDtypeStruct((N, C), jnp.float32),
    )


@jax.jit
def kernel(x, edge_index, kernel_id, W, gamma, beta):
    N, C = x.shape
    K = W.shape[0]
    E = kernel_id.shape[0]
    B = 80

    src2d = edge_index[0].astype(jnp.int32).reshape(E // 128, 128)
    kid2d = kernel_id.astype(jnp.int32).reshape(E // 128, 128)
    dst = edge_index[1].astype(jnp.int32)

    xw, gidx2d = _make_xw_call(K, N, C, E // 128)(
        x, W, kid2d, src2d)

    zeros = jnp.zeros((N, C), jnp.float32)
    partials = _make_sc_call(N, C, E, B)(
        xw.reshape(K * N, C), gidx2d.reshape(E), dst, zeros)

    out = _make_bn_call(N, C)(
        partials, gamma.reshape(1, C), beta.reshape(1, C))
    return out

# --- scband reference (transcript-rebuilt; emitter-appended) ---
"""Pipeline reference for scband-basic-sparse-deconvolution-block-31190052503632 (READ-ONLY COPY).

The authoritative reference and input builder live on the scoring server;
editing this copy changes nothing except your own understanding.
"""

import jax, jax.numpy as jnp
import numpy as np

N_NODES = 10000
N_EDGES = 320000
C_IN = 128
C_OUT = 128
KVOL = 27  # 3x3x3 transposed-conv kernel offsets


def setup_inputs(seed: int = 0) -> dict:
    key = jax.random.key(seed)
    k0, k1, k2, k3, k4 = jax.random.split(key, 5)
    x = jax.random.normal(k0, (N_NODES, C_IN), dtype=jnp.float32)
    # kernel map: (src_input_voxel, dst_output_voxel) pairs, one per nonzero kernel-offset match
    edge_index = jax.random.randint(k1, (2, N_EDGES), 0, N_NODES)
    kernel_id = jax.random.randint(k2, (N_EDGES,), 0, KVOL)
    # learned params: per-offset weight of spnn.Conv3d(transposed=True), BN affine params
    W = jax.random.normal(k3, (KVOL, C_IN, C_OUT), dtype=jnp.float32) * 0.05
    gamma = jnp.ones((C_OUT,), dtype=jnp.float32)
    beta = jnp.zeros((C_OUT,), dtype=jnp.float32)
    return {"x": x, "edge_index": edge_index, "kernel_id": kernel_id, "W": W, "gamma": gamma, "beta": beta}


def reference(x, edge_index, kernel_id, W, gamma, beta):
    # Sparse transposed 3D conv expressed via precomputed kernel maps:
    # out[j] = sum_{edges e with dst_e=j} x[src_e] @ W[kernel_id_e]
    # Reassociated per kernel offset (linearity): gather -> masked scatter-add -> matmul.
    src = edge_index[0]
    dst = edge_index[1]
    xg = jnp.take(x, src, axis=0)  # [E, C_in] gather
    N = x.shape[0]
    out = jnp.zeros((N, W.shape[2]), dtype=x.dtype)
    for k in range(W.shape[0]):
        mask = (kernel_id == k).astype(x.dtype)[:, None]
        agg = jnp.zeros((N, x.shape[1]), dtype=x.dtype).at[dst].add(xg * mask)  # scatter-add
        out = out + agg @ W[k]
    # spnn.BatchNorm (training-mode batch stats over active voxels)
    mean = jnp.mean(out, axis=0)
    var = jnp.var(out, axis=0)
    out = (out - mean) / jnp.sqrt(var + 1e-5) * gamma + beta
    # spnn.ReLU
    return jnp.maximum(out, 0.0)

if __name__ == "__main__":
    import jax
    _d = setup_inputs()
    print(jax.jit(kernel)(*tuple(_d.values())))

</pallas_src>

<mosaic_0001>
#map = affine_map<(d0, d1) -> (0, 0)>
#map1 = affine_map<(d0, d1) -> (0)>
#map2 = affine_map<(d0, d1) -> (0, 0, 0)>
module attributes {stable_mosaic.version = 14 : i64} {
  func.func @sc_call(%arg0: i32, %arg1: i32, %arg2: memref<270000x128xf32, #tpu.memory_space<hbm>>, %arg3: memref<320000xi32, #tpu.memory_space<hbm>>, %arg4: memref<320000xi32, #tpu.memory_space<hbm>>, %arg5: memref<10000x128xf32, #tpu.memory_space<hbm>>, %arg6: memref<2x10000x128xf32, #tpu.memory_space<hbm>>, %arg7: memref<10000x128xf32, #tpu.memory_space<vmem_shared>>, %arg8: memref<80xi32, #tpu.memory_space<vmem>>, %arg9: memref<80xi32, #tpu.memory_space<vmem>>, %arg10: memref<80xi32, #tpu.memory_space<vmem>>, %arg11: memref<80xi32, #tpu.memory_space<vmem>>, %arg12: memref<80xi32, #tpu.memory_space<vmem>>, %arg13: memref<80xi32, #tpu.memory_space<vmem>>, %arg14: memref<80xi32, #tpu.memory_space<vmem>>, %arg15: memref<80xi32, #tpu.memory_space<vmem>>, %arg16: memref<80x128xf32, #tpu.memory_space<vmem>>, %arg17: memref<80x128xf32, #tpu.memory_space<vmem>>, %arg18: memref<80x128xf32, #tpu.memory_space<vmem>>, %arg19: memref<80x128xf32, #tpu.memory_space<vmem>>, %arg20: memref<!tpu.dma_semaphore, #tpu.memory_space<semaphore_mem>>, %arg21: memref<!tpu.dma_semaphore, #tpu.memory_space<semaphore_mem>>, %arg22: memref<!tpu.dma_semaphore, #tpu.memory_space<semaphore_mem>>, %arg23: memref<!tpu.dma_semaphore, #tpu.memory_space<semaphore_mem>>, %arg24: memref<!tpu.dma_semaphore, #tpu.memory_space<semaphore_mem>>, %arg25: memref<!tpu.dma_semaphore, #tpu.memory_space<semaphore_mem>>, %arg26: memref<!tpu.dma_semaphore, #tpu.memory_space<semaphore_mem>>, %arg27: memref<!tpu.dma_semaphore, #tpu.memory_space<semaphore_mem>>, %arg28: memref<!tpu.dma_semaphore, #tpu.memory_space<semaphore_mem>>, %arg29: memref<!tpu.dma_semaphore, #tpu.memory_space<semaphore_mem>>, %arg30: memref<!tpu.dma_semaphore, #tpu.memory_space<semaphore_mem>>, %arg31: memref<!tpu.dma_semaphore, #tpu.memory_space<semaphore_mem>>) attributes {dimension_semantics = [#tpu.dimension_semantics<core_parallel>, #tpu.dimension_semantics<subcore_parallel>], iteration_bounds = array<i64: 2, 16>, scalar_prefetch = 0 : i64, scratch_operands = 25 : i64, tpu.core_type = #tpu.core_type<sc_vector_subcore>, window_params = [{transform_indices = #map}, {transform_indices = #map1}, {transform_indices = #map1}, {transform_indices = #map}, {transform_indices = #map2}]} {
    %mul3A = arith.constant 16 : i32
    %mul3A_0 = arith.muli %arg0, %mul3A : i32
    %add3A = arith.addi %mul3A_0, %arg1 : i32
    %mul3A_1 = arith.constant 10000 : i32
    %mul3A_2 = arith.muli %add3A, %mul3A_1 : i32
    %lt3A = arith.constant 15 : i32
    %lt3A_3 = arith.cmpi slt, %arg1, %lt3A : i32
    %convert_element_type3A = arith.extui %lt3A_3 : i1 to i32
    %cond3A = arith.constant 0 : i32
    %cond3A_4 = arith.cmpi ne, %convert_element_type3A, %cond3A : i32
    scf.if %cond3A_4 {
      %mul3A_72 = arith.constant 640 : i32
      %mul3A_73 = arith.muli %arg1, %mul3A_72 : i32
      %mul3A_74 = arith.constant 640 : i32
      %mul3A_75 = arith.muli %arg1, %mul3A_74 : i32
      "tpu.region"() ({
        %run_scoped3A = tpu.sem_alloc : memref<!tpu.dma_semaphore, #tpu.memory_space<semaphore_mem>>
        %dma_start3A_76 = arith.constant 0 : i32
        %dma_start3A_77 = tpu.memref_slice %arg7[%mul3A_75, %dma_start3A_76] : memref<10000x128xf32, #tpu.memory_space<vmem_shared>> -> memref<640x128xf32, #tpu.memory_space<vmem_shared>>
        %dma_start3A_78 = arith.constant 0 : i32
        %dma_start3A_79 = tpu.memref_slice %arg5[%mul3A_73, %dma_start3A_78] : memref<10000x128xf32, #tpu.memory_space<hbm>> -> memref<640x128xf32, #tpu.memory_space<hbm>>
        tpu.enqueue_dma source(%dma_start3A_79 : memref<640x128xf32, #tpu.memory_space<hbm>>) target(%dma_start3A_77 : memref<640x128xf32, #tpu.memory_space<vmem_shared>>) target_semaphore(%run_scoped3A : memref<!tpu.dma_semaphore, #tpu.memory_space<semaphore_mem>>)
        %dma_wait3A_80 = arith.constant 0 : i32
        %dma_wait3A_81 = tpu.memref_slice %arg7[%mul3A_75, %dma_wait3A_80] : memref<10000x128xf32, #tpu.memory_space<vmem_shared>> -> memref<640x128xf32, #tpu.memory_space<vmem_shared>>
        %dma_wait3A_82 = arith.constant 0 : i32
        %dma_wait3A_83 = tpu.memref_slice %arg5[%mul3A_73, %dma_wait3A_82] : memref<10000x128xf32, #tpu.memory_space<hbm>> -> memref<640x128xf32, #tpu.memory_space<hbm>>
        tpu.wait_dma2 semaphore(%run_scoped3A : memref<!tpu.dma_semaphore, #tpu.memory_space<semaphore_mem>>) src(%dma_wait3A_83 : memref<640x128xf32, #tpu.memory_space<hbm>>) dst(%dma_wait3A_81 : memref<640x128xf32, #tpu.memory_space<vmem_shared>>)
        tpu.yield
      }) : () -> ()
    } else {
    }
    %eq3A = arith.constant 15 : i32
    %eq3A_5 = arith.cmpi eq, %arg1, %eq3A : i32
    %convert_element_type3A_6 = arith.extui %eq3A_5 : i1 to i32
    %cond3A_7 = arith.constant 0 : i32
    %cond3A_8 = arith.cmpi ne, %convert_element_type3A_6, %cond3A_7 : i32
    scf.if %cond3A_8 {
      "tpu.region"() ({
        %run_scoped3A = tpu.sem_alloc : memref<!tpu.dma_semaphore, #tpu.memory_space<semaphore_mem>>
        %dma_start3A_72 = arith.constant 9600 : i32
        %dma_start3A_73 = arith.constant 0 : i32
        %dma_start3A_74 = tpu.memref_slice %arg7[%dma_start3A_72, %dma_start3A_73] : memref<10000x128xf32, #tpu.memory_space<vmem_shared>> -> memref<400x128xf32, #tpu.memory_space<vmem_shared>>
        %dma_start3A_75 = arith.constant 9600 : i32
        %dma_start3A_76 = arith.constant 0 : i32
        %dma_start3A_77 = tpu.memref_slice %arg5[%dma_start3A_75, %dma_start3A_76] : memref<10000x128xf32, #tpu.memory_space<hbm>> -> memref<400x128xf32, #tpu.memory_space<hbm>>
        tpu.enqueue_dma source(%dma_start3A_77 : memref<400x128xf32, #tpu.memory_space<hbm>>) target(%dma_start3A_74 : memref<400x128xf32, #tpu.memory_space<vmem_shared>>) target_semaphore(%run_scoped3A : memref<!tpu.dma_semaphore, #tpu.memory_space<semaphore_mem>>)
        %dma_wait3A_78 = arith.constant 9600 : i32
        %dma_wait3A_79 = arith.constant 0 : i32
        %dma_wait3A_80 = tpu.memref_slice %arg7[%dma_wait3A_78, %dma_wait3A_79] : memref<10000x128xf32, #tpu.memory_space<vmem_shared>> -> memref<400x128xf32, #tpu.memory_space<vmem_shared>>
        %dma_wait3A_81 = arith.constant 9600 : i32
        %dma_wait3A_82 = arith.constant 0 : i32
        %dma_wait3A_83 = tpu.memref_slice %arg5[%dma_wait3A_81, %dma_wait3A_82] : memref<10000x128xf32, #tpu.memory_space<hbm>> -> memref<400x128xf32, #tpu.memory_space<hbm>>
        tpu.wait_dma2 semaphore(%run_scoped3A : memref<!tpu.dma_semaphore, #tpu.memory_space<semaphore_mem>>) src(%dma_wait3A_83 : memref<400x128xf32, #tpu.memory_space<hbm>>) dst(%dma_wait3A_80 : memref<400x128xf32, #tpu.memory_space<vmem_shared>>)
        tpu.yield
      }) : () -> ()
    } else {
    }
    %add3A_9 = arith.constant 0 : i32
    %add3A_10 = arith.addi %mul3A_2, %add3A_9 : i32
    %multiple_of3A = tpu.assume_multiple %add3A_10, 8 : i32
    %dma_start3A = tpu.memref_slice %arg3[%multiple_of3A] : memref<320000xi32, #tpu.memory_space<hbm>> -> memref<80xi32, #tpu.memory_space<hbm>>
    %dma_start3A_11 = tpu.memref_slice %arg3[%multiple_of3A] : memref<320000xi32, #tpu.memory_space<hbm>> -> memref<80xi32, #tpu.memory_space<hbm>>
    tpu.enqueue_dma source(%dma_start3A_11 : memref<80xi32, #tpu.memory_space<hbm>>) target(%arg8 : memref<80xi32, #tpu.memory_space<vmem>>) target_semaphore(%arg20 : memref<!tpu.dma_semaphore, #tpu.memory_space<semaphore_mem>>)
    %dma_start3A_12 = tpu.memref_slice %arg4[%multiple_of3A] : memref<320000xi32, #tpu.memory_space<hbm>> -> memref<80xi32, #tpu.memory_space<hbm>>
    %dma_start3A_13 = tpu.memref_slice %arg4[%multiple_of3A] : memref<320000xi32, #tpu.memory_space<hbm>> -> memref<80xi32, #tpu.memory_space<hbm>>
    tpu.enqueue_dma source(%dma_start3A_13 : memref<80xi32, #tpu.memory_space<hbm>>) target(%arg12 : memref<80xi32, #tpu.memory_space<vmem>>) target_semaphore(%arg24 : memref<!tpu.dma_semaphore, #tpu.memory_space<semaphore_mem>>)
    %add3A_14 = arith.constant 80 : i32
    %add3A_15 = arith.addi %mul3A_2, %add3A_14 : i32
    %multiple_of3A_16 = tpu.assume_multiple %add3A_15, 8 : i32
    %dma_start3A_17 = tpu.memref_slice %arg3[%multiple_of3A_16] : memref<320000xi32, #tpu.memory_space<hbm>> -> memref<80xi32, #tpu.memory_space<hbm>>
    %dma_start3A_18 = tpu.memref_slice %arg3[%multiple_of3A_16] : memref<320000xi32, #tpu.memory_space<hbm>> -> memref<80xi32, #tpu.memory_space<hbm>>
    tpu.enqueue_dma source(%dma_start3A_18 : memref<80xi32, #tpu.memory_space<hbm>>) target(%arg9 : memref<80xi32, #tpu.memory_space<vmem>>) target_semaphore(%arg21 : memref<!tpu.dma_semaphore, #tpu.memory_space<semaphore_mem>>)
    %dma_start3A_19 = tpu.memref_slice %arg4[%multiple_of3A_16] : memref<320000xi32, #tpu.memory_space<hbm>> -> memref<80xi32, #tpu.memory_space<hbm>>
    %dma_start3A_20 = tpu.memref_slice %arg4[%multiple_of3A_16] : memref<320000xi32, #tpu.memory_space<hbm>> -> memref<80xi32, #tpu.memory_space<hbm>>
    tpu.enqueue_dma source(%dma_start3A_20 : memref<80xi32, #tpu.memory_space<hbm>>) target(%arg13 : memref<80xi32, #tpu.memory_space<vmem>>) target_semaphore(%arg25 : memref<!tpu.dma_semaphore, #tpu.memory_space<semaphore_mem>>)
    %add3A_21 = arith.constant 160 : i32
    %add3A_22 = arith.addi %mul3A_2, %add3A_21 : i32
    %multiple_of3A_23 = tpu.assume_multiple %add3A_22, 8 : i32
    %dma_start3A_24 = tpu.memref_slice %arg3[%multiple_of3A_23] : memref<320000xi32, #tpu.memory_space<hbm>> -> memref<80xi32, #tpu.memory_space<hbm>>
    %dma_start3A_25 = tpu.memref_slice %arg3[%multiple_of3A_23] : memref<320000xi32, #tpu.memory_space<hbm>> -> memref<80xi32, #tpu.memory_space<hbm>>
    tpu.enqueue_dma source(%dma_start3A_25 : memref<80xi32, #tpu.memory_space<hbm>>) target(%arg10 : memref<80xi32, #tpu.memory_space<vmem>>) target_semaphore(%arg22 : memref<!tpu.dma_semaphore, #tpu.memory_space<semaphore_mem>>)
    %dma_start3A_26 = tpu.memref_slice %arg4[%multiple_of3A_23] : memref<320000xi32, #tpu.memory_space<hbm>> -> memref<80xi32, #tpu.memory_space<hbm>>
    %dma_start3A_27 = tpu.memref_slice %arg4[%multiple_of3A_23] : memref<320000xi32, #tpu.memory_space<hbm>> -> memref<80xi32, #tpu.memory_space<hbm>>
    tpu.enqueue_dma source(%dma_start3A_27 : memref<80xi32, #tpu.memory_space<hbm>>) target(%arg14 : memref<80xi32, #tpu.memory_space<vmem>>) target_semaphore(%arg26 : memref<!tpu.dma_semaphore, #tpu.memory_space<semaphore_mem>>)
    %add3A_28 = arith.constant 240 : i32
    %add3A_29 = arith.addi %mul3A_2, %add3A_28 : i32
    %multiple_of3A_30 = tpu.assume_multiple %add3A_29, 8 : i32
    %dma_start3A_31 = tpu.memref_slice %arg3[%multiple_of3A_30] : memref<320000xi32, #tpu.memory_space<hbm>> -> memref<80xi32, #tpu.memory_space<hbm>>
    %dma_start3A_32 = tpu.memref_slice %arg3[%multiple_of3A_30] : memref<320000xi32, #tpu.memory_space<hbm>> -> memref<80xi32, #tpu.memory_space<hbm>>
    tpu.enqueue_dma source(%dma_start3A_32 : memref<80xi32, #tpu.memory_space<hbm>>) target(%arg11 : memref<80xi32, #tpu.memory_space<vmem>>) target_semaphore(%arg23 : memref<!tpu.dma_semaphore, #tpu.memory_space<semaphore_mem>>)
    %dma_start3A_33 = tpu.memref_slice %arg4[%multiple_of3A_30] : memref<320000xi32, #tpu.memory_space<hbm>> -> memref<80xi32, #tpu.memory_space<hbm>>
    %dma_start3A_34 = tpu.memref_slice %arg4[%multiple_of3A_30] : memref<320000xi32, #tpu.memory_space<hbm>> -> memref<80xi32, #tpu.memory_space<hbm>>
    tpu.enqueue_dma source(%dma_start3A_34 : memref<80xi32, #tpu.memory_space<hbm>>) target(%arg15 : memref<80xi32, #tpu.memory_space<vmem>>) target_semaphore(%arg27 : memref<!tpu.dma_semaphore, #tpu.memory_space<semaphore_mem>>)
    %barrier3A = arith.constant 0 : index
    tpu.barrier barrier_id(%barrier3A)
    %dma_wait3A = arith.constant 0 : i32
    %dma_wait3A_35 = tpu.memref_slice %arg3[%dma_wait3A] : memref<320000xi32, #tpu.memory_space<hbm>> -> memref<80xi32, #tpu.memory_space<hbm>>
    %dma_wait3A_36 = arith.constant 0 : i32
    %dma_wait3A_37 = tpu.memref_slice %arg3[%dma_wait3A_36] : memref<320000xi32, #tpu.memory_space<hbm>> -> memref<80xi32, #tpu.memory_space<hbm>>
    tpu.wait_dma2 semaphore(%arg20 : memref<!tpu.dma_semaphore, #tpu.memory_space<semaphore_mem>>) src(%dma_wait3A_37 : memref<80xi32, #tpu.memory_space<hbm>>) dst(%arg8 : memref<80xi32, #tpu.memory_space<vmem>>)
    %dma_wait3A_38 = arith.constant 0 : i32
    %dma_wait3A_39 = tpu.memref_slice %arg4[%dma_wait3A_38] : memref<320000xi32, #tpu.memory_space<hbm>> -> memref<80xi32, #tpu.memory_space<hbm>>
    %dma_wait3A_40 = arith.constant 0 : i32
    %dma_wait3A_41 = tpu.memref_slice %arg4[%dma_wait3A_40] : memref<320000xi32, #tpu.memory_space<hbm>> -> memref<80xi32, #tpu.memory_space<hbm>>
    tpu.wait_dma2 semaphore(%arg24 : memref<!tpu.dma_semaphore, #tpu.memory_space<semaphore_mem>>) src(%dma_wait3A_41 : memref<80xi32, #tpu.memory_space<hbm>>) dst(%arg12 : memref<80xi32, #tpu.memory_space<vmem>>)
    %dma_start3A_42 = arith.constant 0 : i32
    %dma_start3A_43 = arith.constant 0 : i32
    %dma_start3A_44 = tpu.memref_slice %arg2[%dma_start3A_42, %dma_start3A_43] : memref<270000x128xf32, #tpu.memory_space<hbm>> -> memref<270000x128xf32, #tpu.memory_space<hbm>>
    tpu.enqueue_indirect_dma source(%dma_start3A_44 : memref<270000x128xf32, #tpu.memory_space<hbm>>) target(%arg16 : memref<80x128xf32, #tpu.memory_space<vmem>>) offsets(%arg8 : memref<80xi32, #tpu.memory_space<vmem>>) semaphore(%arg28 : memref<!tpu.dma_semaphore, #tpu.memory_space<semaphore_mem>>)
    %dma_wait3A_45 = arith.constant 0 : i32
    %dma_wait3A_46 = tpu.memref_slice %arg3[%dma_wait3A_45] : memref<320000xi32, #tpu.memory_space<hbm>> -> memref<80xi32, #tpu.memory_space<hbm>>
    %dma_wait3A_47 = arith.constant 0 : i32
    %dma_wait3A_48 = tpu.memref_slice %arg3[%dma_wait3A_47] : memref<320000xi32, #tpu.memory_space<hbm>> -> memref<80xi32, #tpu.memory_space<hbm>>
    tpu.wait_dma2 semaphore(%arg21 : memref<!tpu.dma_semaphore, #tpu.memory_space<semaphore_mem>>) src(%dma_wait3A_48 : memref<80xi32, #tpu.memory_space<hbm>>) dst(%arg9 : memref<80xi32, #tpu.memory_space<vmem>>)
    %dma_wait3A_49 = arith.constant 0 : i32
    %dma_wait3A_50 = tpu.memref_slice %arg4[%dma_wait3A_49] : memref<320000xi32, #tpu.memory_space<hbm>> -> memref<80xi32, #tpu.memory_space<hbm>>
    %dma_wait3A_51 = arith.constant 0 : i32
    %dma_wait3A_52 = tpu.memref_slice %arg4[%dma_wait3A_51] : memref<320000xi32, #tpu.memory_space<hbm>> -> memref<80xi32, #tpu.memory_space<hbm>>
    tpu.wait_dma2 semaphore(%arg25 : memref<!tpu.dma_semaphore, #tpu.memory_space<semaphore_mem>>) src(%dma_wait3A_52 : memref<80xi32, #tpu.memory_space<hbm>>) dst(%arg13 : memref<80xi32, #tpu.memory_space<vmem>>)
    %dma_start3A_53 = arith.constant 0 : i32
    %dma_start3A_54 = arith.constant 0 : i32
    %dma_start3A_55 = tpu.memref_slice %arg2[%dma_start3A_53, %dma_start3A_54] : memref<270000x128xf32, #tpu.memory_space<hbm>> -> memref<270000x128xf32, #tpu.memory_space<hbm>>
    tpu.enqueue_indirect_dma source(%dma_start3A_55 : memref<270000x128xf32, #tpu.memory_space<hbm>>) target(%arg17 : memref<80x128xf32, #tpu.memory_space<vmem>>) offsets(%arg9 : memref<80xi32, #tpu.memory_space<vmem>>) semaphore(%arg29 : memref<!tpu.dma_semaphore, #tpu.memory_space<semaphore_mem>>)
    %scan3A = arith.constant 0 : i32
    %scan3A_56 = arith.constant 0 : i32
    %scan3A_57 = arith.constant 32 : i32
    %scan3A_58 = arith.addi %scan3A_56, %scan3A_57 : i32
    %scan3A_59 = arith.constant 1 : i32
    scf.for %scan3A_72 = %scan3A_56 to %scan3A_58 step %scan3A_59  : i32 {
      %mul3A_73 = arith.constant 4 : i32
      %mul3A_74 = arith.muli %scan3A_72, %mul3A_73 : i32
      %add3A_75 = arith.constant 0 : i32
      %add3A_76 = arith.addi %mul3A_74, %add3A_75 : i32
      %add3A_77 = arith.constant 2 : i32
      %add3A_78 = arith.addi %add3A_76, %add3A_77 : i32
      %lt3A_79 = arith.constant 125 : i32
      %lt3A_80 = arith.cmpi slt, %add3A_78, %lt3A_79 : i32
      %convert_element_type3A_81 = arith.extui %lt3A_80 : i1 to i32
      %cond3A_82 = arith.constant 0 : i32
      %cond3A_83 = arith.cmpi ne, %convert_element_type3A_81, %cond3A_82 : i32
      scf.if %cond3A_83 {
        %dma_wait3A_165 = arith.constant 0 : i32
        %dma_wait3A_166 = tpu.memref_slice %arg3[%dma_wait3A_165] : memref<320000xi32, #tpu.memory_space<hbm>> -> memref<80xi32, #tpu.memory_space<hbm>>
        %dma_wait3A_167 = arith.constant 0 : i32
        %dma_wait3A_168 = tpu.memref_slice %arg3[%dma_wait3A_167] : memref<320000xi32, #tpu.memory_space<hbm>> -> memref<80xi32, #tpu.memory_space<hbm>>
        tpu.wait_dma2 semaphore(%arg22 : memref<!tpu.dma_semaphore, #tpu.memory_space<semaphore_mem>>) src(%dma_wait3A_168 : memref<80xi32, #tpu.memory_space<hbm>>) dst(%arg10 : memref<80xi32, #tpu.memory_space<vmem>>)
        %dma_wait3A_169 = arith.constant 0 : i32
        %dma_wait3A_170 = tpu.memref_slice %arg4[%dma_wait3A_169] : memref<320000xi32, #tpu.memory_space<hbm>> -> memref<80xi32, #tpu.memory_space<hbm>>
        %dma_wait3A_171 = arith.constant 0 : i32
        %dma_wait3A_172 = tpu.memref_slice %arg4[%dma_wait3A_171] : memref<320000xi32, #tpu.memory_space<hbm>> -> memref<80xi32, #tpu.memory_space<hbm>>
        tpu.wait_dma2 semaphore(%arg26 : memref<!tpu.dma_semaphore, #tpu.memory_space<semaphore_mem>>) src(%dma_wait3A_172 : memref<80xi32, #tpu.memory_space<hbm>>) dst(%arg14 : memref<80xi32, #tpu.memory_space<vmem>>)
        %dma_start3A_173 = arith.constant 0 : i32
        %dma_start3A_174 = arith.constant 0 : i32
        %dma_start3A_175 = tpu.memref_slice %arg2[%dma_start3A_173, %dma_start3A_174] : memref<270000x128xf32, #tpu.memory_space<hbm>> -> memref<270000x128xf32, #tpu.memory_space<hbm>>
        tpu.enqueue_indirect_dma source(%dma_start3A_175 : memref<270000x128xf32, #tpu.memory_space<hbm>>) target(%arg18 : memref<80x128xf32, #tpu.memory_space<vmem>>) offsets(%arg10 : memref<80xi32, #tpu.memory_space<vmem>>) semaphore(%arg30 : memref<!tpu.dma_semaphore, #tpu.memory_space<semaphore_mem>>)
      } else {
      }
      %lt3A_84 = arith.constant 125 : i32
      %lt3A_85 = arith.cmpi slt, %add3A_76, %lt3A_84 : i32
      %convert_element_type3A_86 = arith.extui %lt3A_85 : i1 to i32
      %cond3A_87 = arith.constant 0 : i32
      %cond3A_88 = arith.cmpi ne, %convert_element_type3A_86, %cond3A_87 : i32
      scf.if %cond3A_88 {
        %dma_wait3A_165 = arith.constant 0 : i32
        %dma_wait3A_166 = arith.constant 0 : i32
        %dma_wait3A_167 = tpu.memref_slice %arg2[%dma_wait3A_165, %dma_wait3A_166] : memref<270000x128xf32, #tpu.memory_space<hbm>> -> memref<270000x128xf32, #tpu.memory_space<hbm>>
        tpu.wait_indirect_dma semaphore(%arg28 : memref<!tpu.dma_semaphore, #tpu.memory_space<semaphore_mem>>) src(%dma_wait3A_167 : memref<270000x128xf32, #tpu.memory_space<hbm>>) dst(%arg16 : memref<80x128xf32, #tpu.memory_space<vmem>>)
        "tpu.region"() ({
          %run_scoped3A = tpu.sem_alloc : memref<!tpu.dma_semaphore, #tpu.memory_space<semaphore_mem>>
          %dma_start3A_168 = arith.constant 0 : i32
          %dma_start3A_169 = arith.constant 0 : i32
          %dma_start3A_170 = tpu.memref_slice %arg7[%dma_start3A_168, %dma_start3A_169] : memref<10000x128xf32, #tpu.memory_space<vmem_shared>> -> memref<10000x128xf32, #tpu.memory_space<vmem_shared>>
          tpu.enqueue_indirect_dma source(%arg16 : memref<80x128xf32, #tpu.memory_space<vmem>>) target(%dma_start3A_170 : memref<10000x128xf32, #tpu.memory_space<vmem_shared>>) offsets(%arg12 : memref<80xi32, #tpu.memory_space<vmem>>) semaphore(%run_scoped3A : memref<!tpu.dma_semaphore, #tpu.memory_space<semaphore_mem>>) {add = true}
          %dma_wait3A_171 = arith.constant 0 : i32
          %dma_wait3A_172 = arith.constant 0 : i32
          %dma_wait3A_173 = tpu.memref_slice %arg7[%dma_wait3A_171, %dma_wait3A_172] : memref<10000x128xf32, #tpu.memory_space<vmem_shared>> -> memref<10000x128xf32, #tpu.memory_space<vmem_shared>>
          tpu.wait_indirect_dma semaphore(%run_scoped3A : memref<!tpu.dma_semaphore, #tpu.memory_space<semaphore_mem>>) src(%arg16 : memref<80x128xf32, #tpu.memory_space<vmem>>) dst(%dma_wait3A_173 : memref<10000x128xf32, #tpu.memory_space<vmem_shared>>)
          tpu.yield
        }) : () -> ()
      } else {
      }
      %add3A_89 = arith.constant 4 : i32
      %add3A_90 = arith.addi %add3A_76, %add3A_89 : i32
      %lt3A_91 = arith.constant 125 : i32
      %lt3A_92 = arith.cmpi slt, %add3A_90, %lt3A_91 : i32
      %convert_element_type3A_93 = arith.extui %lt3A_92 : i1 to i32
      %cond3A_94 = arith.constant 0 : i32
      %cond3A_95 = arith.cmpi ne, %convert_element_type3A_93, %cond3A_94 : i32
      scf.if %cond3A_95 {
        %add3A_165 = arith.constant 4 : i32
        %add3A_166 = arith.addi %add3A_76, %add3A_165 : i32
        %mul3A_167 = arith.constant 80 : i32
        %mul3A_168 = arith.muli %add3A_166, %mul3A_167 : i32
        %add3A_169 = arith.addi %mul3A_2, %mul3A_168 : i32
        %multiple_of3A_170 = tpu.assume_multiple %add3A_169, 8 : i32
        %dma_start3A_171 = tpu.memref_slice %arg3[%multiple_of3A_170] : memref<320000xi32, #tpu.memory_space<hbm>> -> memref<80xi32, #tpu.memory_space<hbm>>
        %dma_start3A_172 = tpu.memref_slice %arg3[%multiple_of3A_170] : memref<320000xi32, #tpu.memory_space<hbm>> -> memref<80xi32, #tpu.memory_space<hbm>>
        tpu.enqueue_dma source(%dma_start3A_172 : memref<80xi32, #tpu.memory_space<hbm>>) target(%arg8 : memref<80xi32, #tpu.memory_space<vmem>>) target_semaphore(%arg20 : memref<!tpu.dma_semaphore, #tpu.memory_space<semaphore_mem>>)
        %dma_start3A_173 = tpu.memref_slice %arg4[%multiple_of3A_170] : memref<320000xi32, #tpu.memory_space<hbm>> -> memref<80xi32, #tpu.memory_space<hbm>>
        %dma_start3A_174 = tpu.memref_slice %arg4[%multiple_of3A_170] : memref<320000xi32, #tpu.memory_space<hbm>> -> memref<80xi32, #tpu.memory_space<hbm>>
        tpu.enqueue_dma source(%dma_start3A_174 : memref<80xi32, #tpu.memory_space<hbm>>) target(%arg12 : memref<80xi32, #tpu.memory_space<vmem>>) target_semaphore(%arg24 : memref<!tpu.dma_semaphore, #tpu.memory_space<semaphore_mem>>)
      } else {
      }
      %mul3A_96 = arith.constant 4 : i32
      %mul3A_97 = arith.muli %scan3A_72, %mul3A_96 : i32
      %add3A_98 = arith.constant 1 : i32
      %add3A_99 = arith.addi %mul3A_97, %add3A_98 : i32
      %add3A_100 = arith.constant 2 : i32
      %add3A_101 = arith.addi %add3A_99, %add3A_100 : i32
      %lt3A_102 = arith.constant 125 : i32
      %lt3A_103 = arith.cmpi slt, %add3A_101, %lt3A_102 : i32
      %convert_element_type3A_104 = arith.extui %lt3A_103 : i1 to i32
      %cond3A_105 = arith.constant 0 : i32
      %cond3A_106 = arith.cmpi ne, %convert_element_type3A_104, %cond3A_105 : i32
      scf.if %cond3A_106 {
        %dma_wait3A_165 = arith.constant 0 : i32
        %dma_wait3A_166 = tpu.memref_slice %arg3[%dma_wait3A_165] : memref<320000xi32, #tpu.memory_space<hbm>> -> memref<80xi32, #tpu.memory_space<hbm>>
        %dma_wait3A_167 = arith.constant 0 : i32
        %dma_wait3A_168 = tpu.memref_slice %arg3[%dma_wait3A_167] : memref<320000xi32, #tpu.memory_space<hbm>> -> memref<80xi32, #tpu.memory_space<hbm>>
        tpu.wait_dma2 semaphore(%arg23 : memref<!tpu.dma_semaphore, #tpu.memory_space<semaphore_mem>>) src(%dma_wait3A_168 : memref<80xi32, #tpu.memory_space<hbm>>) dst(%arg11 : memref<80xi32, #tpu.memory_space<vmem>>)
        %dma_wait3A_169 = arith.constant 0 : i32
        %dma_wait3A_170 = tpu.memref_slice %arg4[%dma_wait3A_169] : memref<320000xi32, #tpu.memory_space<hbm>> -> memref<80xi32, #tpu.memory_space<hbm>>
        %dma_wait3A_171 = arith.constant 0 : i32
        %dma_wait3A_172 = tpu.memref_slice %arg4[%dma_wait3A_171] : memref<320000xi32, #tpu.memory_space<hbm>> -> memref<80xi32, #tpu.memory_space<hbm>>
        tpu.wait_dma2 semaphore(%arg27 : memref<!tpu.dma_semaphore, #tpu.memory_space<semaphore_mem>>) src(%dma_wait3A_172 : memref<80xi32, #tpu.memory_space<hbm>>) dst(%arg15 : memref<80xi32, #tpu.memory_space<vmem>>)
        %dma_start3A_173 = arith.constant 0 : i32
        %dma_start3A_174 = arith.constant 0 : i32
        %dma_start3A_175 = tpu.memref_slice %arg2[%dma_start3A_173, %dma_start3A_174] : memref<270000x128xf32, #tpu.memory_space<hbm>> -> memref<270000x128xf32, #tpu.memory_space<hbm>>
        tpu.enqueue_indirect_dma source(%dma_start3A_175 : memref<270000x128xf32, #tpu.memory_space<hbm>>) target(%arg19 : memref<80x128xf32, #tpu.memory_space<vmem>>) offsets(%arg11 : memref<80xi32, #tpu.memory_space<vmem>>) semaphore(%arg31 : memref<!tpu.dma_semaphore, #tpu.memory_space<semaphore_mem>>)
      } else {
      }
      %lt3A_107 = arith.constant 125 : i32
      %lt3A_108 = arith.cmpi slt, %add3A_99, %lt3A_107 : i32
      %convert_element_type3A_109 = arith.extui %lt3A_108 : i1 to i32
      %cond3A_110 = arith.constant 0 : i32
      %cond3A_111 = arith.cmpi ne, %convert_element_type3A_109, %cond3A_110 : i32
      scf.if %cond3A_111 {
        %dma_wait3A_165 = arith.constant 0 : i32
        %dma_wait3A_166 = arith.constant 0 : i32
        %dma_wait3A_167 = tpu.memref_slice %arg2[%dma_wait3A_165, %dma_wait3A_166] : memref<270000x128xf32, #tpu.memory_space<hbm>> -> memref<270000x128xf32, #tpu.memory_space<hbm>>
        tpu.wait_indirect_dma semaphore(%arg29 : memref<!tpu.dma_semaphore, #tpu.memory_space<semaphore_mem>>) src(%dma_wait3A_167 : memref<270000x128xf32, #tpu.memory_space<hbm>>) dst(%arg17 : memref<80x128xf32, #tpu.memory_space<vmem>>)
        "tpu.region"() ({
          %run_scoped3A = tpu.sem_alloc : memref<!tpu.dma_semaphore, #tpu.memory_space<semaphore_mem>>
          %dma_start3A_168 = arith.constant 0 : i32
          %dma_start3A_169 = arith.constant 0 : i32
          %dma_start3A_170 = tpu.memref_slice %arg7[%dma_start3A_168, %dma_start3A_169] : memref<10000x128xf32, #tpu.memory_space<vmem_shared>> -> memref<10000x128xf32, #tpu.memory_space<vmem_shared>>
          tpu.enqueue_indirect_dma source(%arg17 : memref<80x128xf32, #tpu.memory_space<vmem>>) target(%dma_start3A_170 : memref<10000x128xf32, #tpu.memory_space<vmem_shared>>) offsets(%arg13 : memref<80xi32, #tpu.memory_space<vmem>>) semaphore(%run_scoped3A : memref<!tpu.dma_semaphore, #tpu.memory_space<semaphore_mem>>) {add = true}
          %dma_wait3A_171 = arith.constant 0 : i32
          %dma_wait3A_172 = arith.constant 0 : i32
          %dma_wait3A_173 = tpu.memref_slice %arg7[%dma_wait3A_171, %dma_wait3A_172] : memref<10000x128xf32, #tpu.memory_space<vmem_shared>> -> memref<10000x128xf32, #tpu.memory_space<vmem_shared>>
          tpu.wait_indirect_dma semaphore(%run_scoped3A : memref<!tpu.dma_semaphore, #tpu.memory_space<semaphore_mem>>) src(%arg17 : memref<80x128xf32, #tpu.memory_space<vmem>>) dst(%dma_wait3A_173 : memref<10000x128xf32, #tpu.memory_space<vmem_shared>>)
          tpu.yield
        }) : () -> ()
      } else {
      }
      %add3A_112 = arith.constant 4 : i32
      %add3A_113 = arith.addi %add3A_99, %add3A_112 : i32
      %lt3A_114 = arith.constant 125 : i32
      %lt3A_115 = arith.cmpi slt, %add3A_113, %lt3A_114 : i32
      %convert_element_type3A_116 = arith.extui %lt3A_115 : i1 to i32
      %cond3A_117 = arith.constant 0 : i32
      %cond3A_118 = arith.cmpi ne, %convert_element_type3A_116, %cond3A_117 : i32
      scf.if %cond3A_118 {
        %add3A_165 = arith.constant 4 : i32
        %add3A_166 = arith.addi %add3A_99, %add3A_165 : i32
        %mul3A_167 = arith.constant 80 : i32
        %mul3A_168 = arith.muli %add3A_166, %mul3A_167 : i32
        %add3A_169 = arith.addi %mul3A_2, %mul3A_168 : i32
        %multiple_of3A_170 = tpu.assume_multiple %add3A_169, 8 : i32
        %dma_start3A_171 = tpu.memref_slice %arg3[%multiple_of3A_170] : memref<320000xi32, #tpu.memory_space<hbm>> -> memref<80xi32, #tpu.memory_space<hbm>>
        %dma_start3A_172 = tpu.memref_slice %arg3[%multiple_of3A_170] : memref<320000xi32, #tpu.memory_space<hbm>> -> memref<80xi32, #tpu.memory_space<hbm>>
        tpu.enqueue_dma source(%dma_start3A_172 : memref<80xi32, #tpu.memory_space<hbm>>) target(%arg9 : memref<80xi32, #tpu.memory_space<vmem>>) target_semaphore(%arg21 : memref<!tpu.dma_semaphore, #tpu.memory_space<semaphore_mem>>)
        %dma_start3A_173 = tpu.memref_slice %arg4[%multiple_of3A_170] : memref<320000xi32, #tpu.memory_space<hbm>> -> memref<80xi32, #tpu.memory_space<hbm>>
        %dma_start3A_174 = tpu.memref_slice %arg4[%multiple_of3A_170] : memref<320000xi32, #tpu.memory_space<hbm>> -> memref<80xi32, #tpu.memory_space<hbm>>
        tpu.enqueue_dma source(%dma_start3A_174 : memref<80xi32, #tpu.memory_space<hbm>>) target(%arg13 : memref<80xi32, #tpu.memory_space<vmem>>) target_semaphore(%arg25 : memref<!tpu.dma_semaphore, #tpu.memory_space<semaphore_mem>>)
      } else {
      }
      %mul3A_119 = arith.constant 4 : i32
      %mul3A_120 = arith.muli %scan3A_72, %mul3A_119 : i32
      %add3A_121 = arith.constant 2 : i32
      %add3A_122 = arith.addi %mul3A_120, %add3A_121 : i32
      %add3A_123 = arith.constant 2 : i32
      %add3A_124 = arith.addi %add3A_122, %add3A_123 : i32
      %lt3A_125 = arith.constant 125 : i32
      %lt3A_126 = arith.cmpi slt, %add3A_124, %lt3A_125 : i32
      %convert_element_type3A_127 = arith.extui %lt3A_126 : i1 to i32
      %cond3A_128 = arith.constant 0 : i32
      %cond3A_129 = arith.cmpi ne, %convert_element_type3A_127, %cond3A_128 : i32
      scf.if %cond3A_129 {
        %dma_wait3A_165 = arith.constant 0 : i32
        %dma_wait3A_166 = tpu.memref_slice %arg3[%dma_wait3A_165] : memref<320000xi32, #tpu.memory_space<hbm>> -> memref<80xi32, #tpu.memory_space<hbm>>
        %dma_wait3A_167 = arith.constant 0 : i32
        %dma_wait3A_168 = tpu.memref_slice %arg3[%dma_wait3A_167] : memref<320000xi32, #tpu.memory_space<hbm>> -> memref<80xi32, #tpu.memory_space<hbm>>
        tpu.wait_dma2 semaphore(%arg20 : memref<!tpu.dma_semaphore, #tpu.memory_space<semaphore_mem>>) src(%dma_wait3A_168 : memref<80xi32, #tpu.memory_space<hbm>>) dst(%arg8 : memref<80xi32, #tpu.memory_space<vmem>>)
        %dma_wait3A_169 = arith.constant 0 : i32
        %dma_wait3A_170 = tpu.memref_slice %arg4[%dma_wait3A_169] : memref<320000xi32, #tpu.memory_space<hbm>> -> memref<80xi32, #tpu.memory_space<hbm>>
        %dma_wait3A_171 = arith.constant 0 : i32
        %dma_wait3A_172 = tpu.memref_slice %arg4[%dma_wait3A_171] : memref<320000xi32, #tpu.memory_space<hbm>> -> memref<80xi32, #tpu.memory_space<hbm>>
        tpu.wait_dma2 semaphore(%arg24 : memref<!tpu.dma_semaphore, #tpu.memory_space<semaphore_mem>>) src(%dma_wait3A_172 : memref<80xi32, #tpu.memory_space<hbm>>) dst(%arg12 : memref<80xi32, #tpu.memory_space<vmem>>)
        %dma_start3A_173 = arith.constant 0 : i32
        %dma_start3A_174 = arith.constant 0 : i32
        %dma_start3A_175 = tpu.memref_slice %arg2[%dma_start3A_173, %dma_start3A_174] : memref<270000x128xf32, #tpu.memory_space<hbm>> -> memref<270000x128xf32, #tpu.memory_space<hbm>>
        tpu.enqueue_indirect_dma source(%dma_start3A_175 : memref<270000x128xf32, #tpu.memory_space<hbm>>) target(%arg16 : memref<80x128xf32, #tpu.memory_space<vmem>>) offsets(%arg8 : memref<80xi32, #tpu.memory_space<vmem>>) semaphore(%arg28 : memref<!tpu.dma_semaphore, #tpu.memory_space<semaphore_mem>>)
      } else {
      }
      %lt3A_130 = arith.constant 125 : i32
      %lt3A_131 = arith.cmpi slt, %add3A_122, %lt3A_130 : i32
      %convert_element_type3A_132 = arith.extui %lt3A_131 : i1 to i32
      %cond3A_133 = arith.constant 0 : i32
      %cond3A_134 = arith.cmpi ne, %convert_element_type3A_132, %cond3A_133 : i32
      scf.if %cond3A_134 {
        %dma_wait3A_165 = arith.constant 0 : i32
        %dma_wait3A_166 = arith.constant 0 : i32
        %dma_wait3A_167 = tpu.memref_slice %arg2[%dma_wait3A_165, %dma_wait3A_166] : memref<270000x128xf32, #tpu.memory_space<hbm>> -> memref<270000x128xf32, #tpu.memory_space<hbm>>
        tpu.wait_indirect_dma semaphore(%arg30 : memref<!tpu.dma_semaphore, #tpu.memory_space<semaphore_mem>>) src(%dma_wait3A_167 : memref<270000x128xf32, #tpu.memory_space<hbm>>) dst(%arg18 : memref<80x128xf32, #tpu.memory_space<vmem>>)
        "tpu.region"() ({
          %run_scoped3A = tpu.sem_alloc : memref<!tpu.dma_semaphore, #tpu.memory_space<semaphore_mem>>
          %dma_start3A_168 = arith.constant 0 : i32
          %dma_start3A_169 = arith.constant 0 : i32
          %dma_start3A_170 = tpu.memref_slice %arg7[%dma_start3A_168, %dma_start3A_169] : memref<10000x128xf32, #tpu.memory_space<vmem_shared>> -> memref<10000x128xf32, #tpu.memory_space<vmem_shared>>
          tpu.enqueue_indirect_dma source(%arg18 : memref<80x128xf32, #tpu.memory_space<vmem>>) target(%dma_start3A_170 : memref<10000x128xf32, #tpu.memory_space<vmem_shared>>) offsets(%arg14 : memref<80xi32, #tpu.memory_space<vmem>>) semaphore(%run_scoped3A : memref<!tpu.dma_semaphore, #tpu.memory_space<semaphore_mem>>) {add = true}
          %dma_wait3A_171 = arith.constant 0 : i32
          %dma_wait3A_172 = arith.constant 0 : i32
          %dma_wait3A_173 = tpu.memref_slice %arg7[%dma_wait3A_171, %dma_wait3A_172] : memref<10000x128xf32, #tpu.memory_space<vmem_shared>> -> memref<10000x128xf32, #tpu.memory_space<vmem_shared>>
          tpu.wait_indirect_dma semaphore(%run_scoped3A : memref<!tpu.dma_semaphore, #tpu.memory_space<semaphore_mem>>) src(%arg18 : memref<80x128xf32, #tpu.memory_space<vmem>>) dst(%dma_wait3A_173 : memref<10000x128xf32, #tpu.memory_space<vmem_shared>>)
          tpu.yield
        }) : () -> ()
      } else {
      }
      %add3A_135 = arith.constant 4 : i32
      %add3A_136 = arith.addi %add3A_122, %add3A_135 : i32
      %lt3A_137 = arith.constant 125 : i32
      %lt3A_138 = arith.cmpi slt, %add3A_136, %lt3A_137 : i32
      %convert_element_type3A_139 = arith.extui %lt3A_138 : i1 to i32
      %cond3A_140 = arith.constant 0 : i32
      %cond3A_141 = arith.cmpi ne, %convert_element_type3A_139, %cond3A_140 : i32
      scf.if %cond3A_141 {
        %add3A_165 = arith.constant 4 : i32
        %add3A_166 = arith.addi %add3A_122, %add3A_165 : i32
        %mul3A_167 = arith.constant 80 : i32
        %mul3A_168 = arith.muli %add3A_166, %mul3A_167 : i32
        %add3A_169 = arith.addi %mul3A_2, %mul3A_168 : i32
        %multiple_of3A_170 = tpu.assume_multiple %add3A_169, 8 : i32
        %dma_start3A_171 = tpu.memref_slice %arg3[%multiple_of3A_170] : memref<320000xi32, #tpu.memory_space<hbm>> -> memref<80xi32, #tpu.memory_space<hbm>>
        %dma_start3A_172 = tpu.memref_slice %arg3[%multiple_of3A_170] : memref<320000xi32, #tpu.memory_space<hbm>> -> memref<80xi32, #tpu.memory_space<hbm>>
        tpu.enqueue_dma source(%dma_start3A_172 : memref<80xi32, #tpu.memory_space<hbm>>) target(%arg10 : memref<80xi32, #tpu.memory_space<vmem>>) target_semaphore(%arg22 : memref<!tpu.dma_semaphore, #tpu.memory_space<semaphore_mem>>)
        %dma_start3A_173 = tpu.memref_slice %arg4[%multiple_of3A_170] : memref<320000xi32, #tpu.memory_space<hbm>> -> memref<80xi32, #tpu.memory_space<hbm>>
        %dma_start3A_174 = tpu.memref_slice %arg4[%multiple_of3A_170] : memref<320000xi32, #tpu.memory_space<hbm>> -> memref<80xi32, #tpu.memory_space<hbm>>
        tpu.enqueue_dma source(%dma_start3A_174 : memref<80xi32, #tpu.memory_space<hbm>>) target(%arg14 : memref<80xi32, #tpu.memory_space<vmem>>) target_semaphore(%arg26 : memref<!tpu.dma_semaphore, #tpu.memory_space<semaphore_mem>>)
      } else {
      }
      %mul3A_142 = arith.constant 4 : i32
      %mul3A_143 = arith.muli %scan3A_72, %mul3A_142 : i32
      %add3A_144 = arith.constant 3 : i32
      %add3A_145 = arith.addi %mul3A_143, %add3A_144 : i32
      %add3A_146 = arith.constant 2 : i32
      %add3A_147 = arith.addi %add3A_145, %add3A_146 : i32
      %lt3A_148 = arith.constant 125 : i32
      %lt3A_149 = arith.cmpi slt, %add3A_147, %lt3A_148 : i32
      %convert_element_type3A_150 = arith.extui %lt3A_149 : i1 to i32
      %cond3A_151 = arith.constant 0 : i32
      %cond3A_152 = arith.cmpi ne, %convert_element_type3A_150, %cond3A_151 : i32
      scf.if %cond3A_152 {
        %dma_wait3A_165 = arith.constant 0 : i32
        %dma_wait3A_166 = tpu.memref_slice %arg3[%dma_wait3A_165] : memref<320000xi32, #tpu.memory_space<hbm>> -> memref<80xi32, #tpu.memory_space<hbm>>
        %dma_wait3A_167 = arith.constant 0 : i32
        %dma_wait3A_168 = tpu.memref_slice %arg3[%dma_wait3A_167] : memref<320000xi32, #tpu.memory_space<hbm>> -> memref<80xi32, #tpu.memory_space<hbm>>
        tpu.wait_dma2 semaphore(%arg21 : memref<!tpu.dma_semaphore, #tpu.memory_space<semaphore_mem>>) src(%dma_wait3A_168 : memref<80xi32, #tpu.memory_space<hbm>>) dst(%arg9 : memref<80xi32, #tpu.memory_space<vmem>>)
        %dma_wait3A_169 = arith.constant 0 : i32
        %dma_wait3A_170 = tpu.memref_slice %arg4[%dma_wait3A_169] : memref<320000xi32, #tpu.memory_space<hbm>> -> memref<80xi32, #tpu.memory_space<hbm>>
        %dma_wait3A_171 = arith.constant 0 : i32
        %dma_wait3A_172 = tpu.memref_slice %arg4[%dma_wait3A_171] : memref<320000xi32, #tpu.memory_space<hbm>> -> memref<80xi32, #tpu.memory_space<hbm>>
        tpu.wait_dma2 semaphore(%arg25 : memref<!tpu.dma_semaphore, #tpu.memory_space<semaphore_mem>>) src(%dma_wait3A_172 : memref<80xi32, #tpu.memory_space<hbm>>) dst(%arg13 : memref<80xi32, #tpu.memory_space<vmem>>)
        %dma_start3A_173 = arith.constant 0 : i32
        %dma_start3A_174 = arith.constant 0 : i32
        %dma_start3A_175 = tpu.memref_slice %arg2[%dma_start3A_173, %dma_start3A_174] : memref<270000x128xf32, #tpu.memory_space<hbm>> -> memref<270000x128xf32, #tpu.memory_space<hbm>>
        tpu.enqueue_indirect_dma source(%dma_start3A_175 : memref<270000x128xf32, #tpu.memory_space<hbm>>) target(%arg17 : memref<80x128xf32, #tpu.memory_space<vmem>>) offsets(%arg9 : memref<80xi32, #tpu.memory_space<vmem>>) semaphore(%arg29 : memref<!tpu.dma_semaphore, #tpu.memory_space<semaphore_mem>>)
      } else {
      }
      %lt3A_153 = arith.constant 125 : i32
      %lt3A_154 = arith.cmpi slt, %add3A_145, %lt3A_153 : i32
      %convert_element_type3A_155 = arith.extui %lt3A_154 : i1 to i32
      %cond3A_156 = arith.constant 0 : i32
      %cond3A_157 = arith.cmpi ne, %convert_element_type3A_155, %cond3A_156 : i32
      scf.if %cond3A_157 {
        %dma_wait3A_165 = arith.constant 0 : i32
        %dma_wait3A_166 = arith.constant 0 : i32
        %dma_wait3A_167 = tpu.memref_slice %arg2[%dma_wait3A_165, %dma_wait3A_166] : memref<270000x128xf32, #tpu.memory_space<hbm>> -> memref<270000x128xf32, #tpu.memory_space<hbm>>
        tpu.wait_indirect_dma semaphore(%arg31 : memref<!tpu.dma_semaphore, #tpu.memory_space<semaphore_mem>>) src(%dma_wait3A_167 : memref<270000x128xf32, #tpu.memory_space<hbm>>) dst(%arg19 : memref<80x128xf32, #tpu.memory_space<vmem>>)
        "tpu.region"() ({
          %run_scoped3A = tpu.sem_alloc : memref<!tpu.dma_semaphore, #tpu.memory_space<semaphore_mem>>
          %dma_start3A_168 = arith.constant 0 : i32
          %dma_start3A_169 = arith.constant 0 : i32
          %dma_start3A_170 = tpu.memref_slice %arg7[%dma_start3A_168, %dma_start3A_169] : memref<10000x128xf32, #tpu.memory_space<vmem_shared>> -> memref<10000x128xf32, #tpu.memory_space<vmem_shared>>
          tpu.enqueue_indirect_dma source(%arg19 : memref<80x128xf32, #tpu.memory_space<vmem>>) target(%dma_start3A_170 : memref<10000x128xf32, #tpu.memory_space<vmem_shared>>) offsets(%arg15 : memref<80xi32, #tpu.memory_space<vmem>>) semaphore(%run_scoped3A : memref<!tpu.dma_semaphore, #tpu.memory_space<semaphore_mem>>) {add = true}
          %dma_wait3A_171 = arith.constant 0 : i32
          %dma_wait3A_172 = arith.constant 0 : i32
          %dma_wait3A_173 = tpu.memref_slice %arg7[%dma_wait3A_171, %dma_wait3A_172] : memref<10000x128xf32, #tpu.memory_space<vmem_shared>> -> memref<10000x128xf32, #tpu.memory_space<vmem_shared>>
          tpu.wait_indirect_dma semaphore(%run_scoped3A : memref<!tpu.dma_semaphore, #tpu.memory_space<semaphore_mem>>) src(%arg19 : memref<80x128xf32, #tpu.memory_space<vmem>>) dst(%dma_wait3A_173 : memref<10000x128xf32, #tpu.memory_space<vmem_shared>>)
          tpu.yield
        }) : () -> ()
      } else {
      }
      %add3A_158 = arith.constant 4 : i32
      %add3A_159 = arith.addi %add3A_145, %add3A_158 : i32
      %lt3A_160 = arith.constant 125 : i32
      %lt3A_161 = arith.cmpi slt, %add3A_159, %lt3A_160 : i32
      %convert_element_type3A_162 = arith.extui %lt3A_161 : i1 to i32
      %cond3A_163 = arith.constant 0 : i32
      %cond3A_164 = arith.cmpi ne, %convert_element_type3A_162, %cond3A_163 : i32
      scf.if %cond3A_164 {
        %add3A_165 = arith.constant 4 : i32
        %add3A_166 = arith.addi %add3A_145, %add3A_165 : i32
        %mul3A_167 = arith.constant 80 : i32
        %mul3A_168 = arith.muli %add3A_166, %mul3A_167 : i32
        %add3A_169 = arith.addi %mul3A_2, %mul3A_168 : i32
        %multiple_of3A_170 = tpu.assume_multiple %add3A_169, 8 : i32
        %dma_start3A_171 = tpu.memref_slice %arg3[%multiple_of3A_170] : memref<320000xi32, #tpu.memory_space<hbm>> -> memref<80xi32, #tpu.memory_space<hbm>>
        %dma_start3A_172 = tpu.memref_slice %arg3[%multiple_of3A_170] : memref<320000xi32, #tpu.memory_space<hbm>> -> memref<80xi32, #tpu.memory_space<hbm>>
        tpu.enqueue_dma source(%dma_start3A_172 : memref<80xi32, #tpu.memory_space<hbm>>) target(%arg11 : memref<80xi32, #tpu.memory_space<vmem>>) target_semaphore(%arg23 : memref<!tpu.dma_semaphore, #tpu.memory_space<semaphore_mem>>)
        %dma_start3A_173 = tpu.memref_slice %arg4[%multiple_of3A_170] : memref<320000xi32, #tpu.memory_space<hbm>> -> memref<80xi32, #tpu.memory_space<hbm>>
        %dma_start3A_174 = tpu.memref_slice %arg4[%multiple_of3A_170] : memref<320000xi32, #tpu.memory_space<hbm>> -> memref<80xi32, #tpu.memory_space<hbm>>
        tpu.enqueue_dma source(%dma_start3A_174 : memref<80xi32, #tpu.memory_space<hbm>>) target(%arg15 : memref<80xi32, #tpu.memory_space<vmem>>) target_semaphore(%arg27 : memref<!tpu.dma_semaphore, #tpu.memory_space<semaphore_mem>>)
      } else {
      }
    }
    %scan3A_60 = arith.constant 32 : i32
    %barrier3A_61 = arith.constant 0 : index
    tpu.barrier barrier_id(%barrier3A_61)
    %lt3A_62 = arith.constant 15 : i32
    %lt3A_63 = arith.cmpi slt, %arg1, %lt3A_62 : i32
    %convert_element_type3A_64 = arith.extui %lt3A_63 : i1 to i32
    %cond3A_65 = arith.constant 0 : i32
    %cond3A_66 = arith.cmpi ne, %convert_element_type3A_64, %cond3A_65 : i32
    scf.if %cond3A_66 {
      %mul3A_72 = arith.constant 640 : i32
      %mul3A_73 = arith.muli %arg1, %mul3A_72 : i32
      %mul3A_74 = arith.constant 640 : i32
      %mul3A_75 = arith.muli %arg1, %mul3A_74 : i32
      "tpu.region"() ({
        %run_scoped3A = tpu.sem_alloc : memref<!tpu.dma_semaphore, #tpu.memory_space<semaphore_mem>>
        %dma_start3A_76 = arith.constant 0 : i32
        %dma_start3A_77 = arith.constant 0 : i32
        %dma_start3A_78 = tpu.memref_slice %arg6[%arg0, %dma_start3A_76, %dma_start3A_77] : memref<2x10000x128xf32, #tpu.memory_space<hbm>> -> memref<1x10000x128xf32, #tpu.memory_space<hbm>>
        %dma_start3A_79 = tpu.memref_squeeze %dma_start3A_78 : memref<1x10000x128xf32, #tpu.memory_space<hbm>> -> memref<10000x128xf32, #tpu.memory_space<hbm>>
        %dma_start3A_80 = arith.constant 0 : i32
        %dma_start3A_81 = tpu.memref_slice %dma_start3A_79[%mul3A_75, %dma_start3A_80] : memref<10000x128xf32, #tpu.memory_space<hbm>> -> memref<640x128xf32, #tpu.memory_space<hbm>>
        %dma_start3A_82 = arith.constant 0 : i32
        %dma_start3A_83 = tpu.memref_slice %arg7[%mul3A_73, %dma_start3A_82] : memref<10000x128xf32, #tpu.memory_space<vmem_shared>> -> memref<640x128xf32, #tpu.memory_space<vmem_shared>>
        tpu.enqueue_dma source(%dma_start3A_83 : memref<640x128xf32, #tpu.memory_space<vmem_shared>>) target(%dma_start3A_81 : memref<640x128xf32, #tpu.memory_space<hbm>>) target_semaphore(%run_scoped3A : memref<!tpu.dma_semaphore, #tpu.memory_space<semaphore_mem>>)
        %dma_wait3A_84 = arith.constant 0 : i32
        %dma_wait3A_85 = arith.constant 0 : i32
        %dma_wait3A_86 = tpu.memref_slice %arg6[%arg0, %dma_wait3A_84, %dma_wait3A_85] : memref<2x10000x128xf32, #tpu.memory_space<hbm>> -> memref<1x10000x128xf32, #tpu.memory_space<hbm>>
        %dma_wait3A_87 = tpu.memref_squeeze %dma_wait3A_86 : memref<1x10000x128xf32, #tpu.memory_space<hbm>> -> memref<10000x128xf32, #tpu.memory_space<hbm>>
        %dma_wait3A_88 = arith.constant 0 : i32
        %dma_wait3A_89 = tpu.memref_slice %dma_wait3A_87[%mul3A_75, %dma_wait3A_88] : memref<10000x128xf32, #tpu.memory_space<hbm>> -> memref<640x128xf32, #tpu.memory_space<hbm>>
        %dma_wait3A_90 = arith.constant 0 : i32
        %dma_wait3A_91 = tpu.memref_slice %arg7[%mul3A_73, %dma_wait3A_90] : memref<10000x128xf32, #tpu.memory_space<vmem_shared>> -> memref<640x128xf32, #tpu.memory_space<vmem_shared>>
        tpu.wait_dma2 semaphore(%run_scoped3A : memref<!tpu.dma_semaphore, #tpu.memory_space<semaphore_mem>>) src(%dma_wait3A_91 : memref<640x128xf32, #tpu.memory_space<vmem_shared>>) dst(%dma_wait3A_89 : memref<640x128xf32, #tpu.memory_space<hbm>>)
        tpu.yield
      }) : () -> ()
    } else {
    }
    %eq3A_67 = arith.constant 15 : i32
    %eq3A_68 = arith.cmpi eq, %arg1, %eq3A_67 : i32
    %convert_element_type3A_69 = arith.extui %eq3A_68 : i1 to i32
    %cond3A_70 = arith.constant 0 : i32
    %cond3A_71 = arith.cmpi ne, %convert_element_type3A_69, %cond3A_70 : i32
    scf.if %cond3A_71 {
      "tpu.region"() ({
        %run_scoped3A = tpu.sem_alloc : memref<!tpu.dma_semaphore, #tpu.memory_space<semaphore_mem>>
        %dma_start3A_72 = arith.constant 0 : i32
        %dma_start3A_73 = arith.constant 0 : i32
        %dma_start3A_74 = tpu.memref_slice %arg6[%arg0, %dma_start3A_72, %dma_start3A_73] : memref<2x10000x128xf32, #tpu.memory_space<hbm>> -> memref<1x10000x128xf32, #tpu.memory_space<hbm>>
        %dma_start3A_75 = tpu.memref_squeeze %dma_start3A_74 : memref<1x10000x128xf32, #tpu.memory_space<hbm>> -> memref<10000x128xf32, #tpu.memory_space<hbm>>
        %dma_start3A_76 = arith.constant 9600 : i32
        %dma_start3A_77 = arith.constant 0 : i32
        %dma_start3A_78 = tpu.memref_slice %dma_start3A_75[%dma_start3A_76, %dma_start3A_77] : memref<10000x128xf32, #tpu.memory_space<hbm>> -> memref<400x128xf32, #tpu.memory_space<hbm>>
        %dma_start3A_79 = arith.constant 9600 : i32
        %dma_start3A_80 = arith.constant 0 : i32
        %dma_start3A_81 = tpu.memref_slice %arg7[%dma_start3A_79, %dma_start3A_80] : memref<10000x128xf32, #tpu.memory_space<vmem_shared>> -> memref<400x128xf32, #tpu.memory_space<vmem_shared>>
        tpu.enqueue_dma source(%dma_start3A_81 : memref<400x128xf32, #tpu.memory_space<vmem_shared>>) target(%dma_start3A_78 : memref<400x128xf32, #tpu.memory_space<hbm>>) target_semaphore(%run_scoped3A : memref<!tpu.dma_semaphore, #tpu.memory_space<semaphore_mem>>)
        %dma_wait3A_82 = arith.constant 0 : i32
        %dma_wait3A_83 = arith.constant 0 : i32
        %dma_wait3A_84 = tpu.memref_slice %arg6[%arg0, %dma_wait3A_82, %dma_wait3A_83] : memref<2x10000x128xf32, #tpu.memory_space<hbm>> -> memref<1x10000x128xf32, #tpu.memory_space<hbm>>
        %dma_wait3A_85 = tpu.memref_squeeze %dma_wait3A_84 : memref<1x10000x128xf32, #tpu.memory_space<hbm>> -> memref<10000x128xf32, #tpu.memory_space<hbm>>
        %dma_wait3A_86 = arith.constant 9600 : i32
        %dma_wait3A_87 = arith.constant 0 : i32
        %dma_wait3A_88 = tpu.memref_slice %dma_wait3A_85[%dma_wait3A_86, %dma_wait3A_87] : memref<10000x128xf32, #tpu.memory_space<hbm>> -> memref<400x128xf32, #tpu.memory_space<hbm>>
        %dma_wait3A_89 = arith.constant 9600 : i32
        %dma_wait3A_90 = arith.constant 0 : i32
        %dma_wait3A_91 = tpu.memref_slice %arg7[%dma_wait3A_89, %dma_wait3A_90] : memref<10000x128xf32, #tpu.memory_space<vmem_shared>> -> memref<400x128xf32, #tpu.memory_space<vmem_shared>>
        tpu.wait_dma2 semaphore(%run_scoped3A : memref<!tpu.dma_semaphore, #tpu.memory_space<semaphore_mem>>) src(%dma_wait3A_91 : memref<400x128xf32, #tpu.memory_space<vmem_shared>>) dst(%dma_wait3A_88 : memref<400x128xf32, #tpu.memory_space<hbm>>)
        tpu.yield
      }) : () -> ()
    } else {
    }
    return
  }
}

module attributes {stable_mosaic.version = 14 : i64} {
  func.func @_bn_body(%arg0: memref<2x10000x128xf32, #tpu.memory_space<vmem>>, %arg1: memref<1x128xf32, #tpu.memory_space<vmem>>, %arg2: memref<1x128xf32, #tpu.memory_space<vmem>>, %arg3: memref<10000x128xf32, #tpu.memory_space<vmem>>) attributes {dimension_semantics = [], scalar_prefetch = 0 : i64, scratch_operands = 0 : i64, tpu.core_type = #tpu.core_type<tc>} {
    %get3A = arith.constant 0 : index
    %get3A_0 = arith.constant 0 : index
    %get3A_1 = arith.constant 0 : index
    %get3A_2 = vector.load %arg0[%get3A, %get3A_0, %get3A_1] : memref<2x10000x128xf32, #tpu.memory_space<vmem>>, vector<1x10000x128xf32>
    %get3A_3 = vector.shape_cast %get3A_2 : vector<1x10000x128xf32> to vector<10000x128xf32>
    %get3A_4 = arith.constant 1 : index
    %get3A_5 = arith.constant 0 : index
    %get3A_6 = arith.constant 0 : index
    %get3A_7 = vector.load %arg0[%get3A_4, %get3A_5, %get3A_6] : memref<2x10000x128xf32, #tpu.memory_space<vmem>>, vector<1x10000x128xf32>
    %get3A_8 = vector.shape_cast %get3A_7 : vector<1x10000x128xf32> to vector<10000x128xf32>
    %add3A = arith.addf %get3A_3, %get3A_8 : vector<10000x128xf32>
    %reduce_sum3A = arith.constant dense<0.000000e+00> : vector<128xf32>
    %reduce_sum3A_9 = vector.multi_reduction <add>, %add3A, %reduce_sum3A [0] : vector<10000x128xf32> to vector<128xf32>
    %broadcast_in_dim3A = vector.shape_cast %reduce_sum3A_9 : vector<128xf32> to vector<1x128xf32>
    %div3A = arith.constant 1.000000e+04 : f32
    %div3A_10 = vector.broadcast %div3A : f32 to vector<1x128xf32>
    %div3A_11 = arith.divf %broadcast_in_dim3A, %div3A_10 : vector<1x128xf32>
    %sub3A = vector.broadcast %div3A_11 : vector<1x128xf32> to vector<10000x128xf32>
    %sub3A_12 = arith.subf %add3A, %sub3A : vector<10000x128xf32>
    %mul3A = arith.mulf %sub3A_12, %sub3A_12 : vector<10000x128xf32>
    %reduce_sum3A_13 = arith.constant dense<0.000000e+00> : vector<128xf32>
    %reduce_sum3A_14 = vector.multi_reduction <add>, %mul3A, %reduce_sum3A_13 [0] : vector<10000x128xf32> to vector<128xf32>
    %broadcast_in_dim3A_15 = vector.shape_cast %reduce_sum3A_14 : vector<128xf32> to vector<1x128xf32>
    %div3A_16 = arith.constant 1.000000e+04 : f32
    %div3A_17 = vector.broadcast %div3A_16 : f32 to vector<1x128xf32>
    %div3A_18 = arith.divf %broadcast_in_dim3A_15, %div3A_17 : vector<1x128xf32>
    %add3A_19 = arith.constant 9.99999974E-6 : f32
    %add3A_20 = vector.broadcast %add3A_19 : f32 to vector<1x128xf32>
    %add3A_21 = arith.addf %div3A_18, %add3A_20 : vector<1x128xf32>
    %rsqrt3A = math.rsqrt %add3A_21 : vector<1x128xf32>
    %mul3A_22 = vector.broadcast %rsqrt3A : vector<1x128xf32> to vector<10000x128xf32>
    %mul3A_23 = arith.mulf %sub3A_12, %mul3A_22 : vector<10000x128xf32>
    %get3A_24 = arith.constant 0 : index
    %get3A_25 = arith.constant 0 : index
    %get3A_26 = vector.load %arg1[%get3A_24, %get3A_25] : memref<1x128xf32, #tpu.memory_space<vmem>>, vector<1x128xf32>
    %mul3A_27 = vector.broadcast %get3A_26 : vector<1x128xf32> to vector<10000x128xf32>
    %mul3A_28 = arith.mulf %mul3A_23, %mul3A_27 : vector<10000x128xf32>
    %get3A_29 = arith.constant 0 : index
    %get3A_30 = arith.constant 0 : index
    %get3A_31 = vector.load %arg2[%get3A_29, %get3A_30] : memref<1x128xf32, #tpu.memory_space<vmem>>, vector<1x128xf32>
    %add3A_32 = vector.broadcast %get3A_31 : vector<1x128xf32> to vector<10000x128xf32>
    %add3A_33 = arith.addf %mul3A_28, %add3A_32 : vector<10000x128xf32>
    %max3A = arith.constant 0.000000e+00 : f32
    %max3A_34 = vector.broadcast %max3A : f32 to vector<10000x128xf32>
    %max3A_35 = arith.maximumf %add3A_33, %max3A_34 : vector<10000x128xf32>
    %swap3A = arith.constant 0 : index
    %swap3A_36 = arith.constant 0 : index
    %swap3A_37 = vector.load %arg3[%swap3A, %swap3A_36] : memref<10000x128xf32, #tpu.memory_space<vmem>>, vector<10000x128xf32>
    tpu.vector_store %arg3[%swap3A, %swap3A_36], %max3A_35 {strides = array<i32>} : memref<10000x128xf32, #tpu.memory_space<vmem>>, vector<10000x128xf32>,
    return
  }
}

module attributes {stable_mosaic.version = 14 : i64} {
  func.func @_xw_body(%arg0: i32, %arg1: memref<10000x128xf32, #tpu.memory_space<vmem>>, %arg2: memref<1x128x128xf32, #tpu.memory_space<vmem>>, %arg3: memref<2500x128xi32, #tpu.memory_space<vmem>>, %arg4: memref<2500x128xi32, #tpu.memory_space<vmem>>, %arg5: memref<1x10000x128xf32, #tpu.memory_space<vmem>>, %arg6: memref<2500x128xi32, #tpu.memory_space<vmem>>) attributes {dimension_semantics = [#tpu.dimension_semantics<arbitrary>], iteration_bounds = array<i64: 27>, scalar_prefetch = 0 : i64, scratch_operands = 0 : i64, tpu.core_type = #tpu.core_type<tc>, window_params = [{pipeline_mode = #tpu.pipeline_mode<synchronous>, transform_indices = @transform_0, window_bounds = array<i64: 10000, 128>}, {transform_indices = @transform_1, window_bounds = array<i64: 1, 128, 128>}, {pipeline_mode = #tpu.pipeline_mode<synchronous>, transform_indices = @transform_2, window_bounds = array<i64: 2500, 128>}, {pipeline_mode = #tpu.pipeline_mode<synchronous>, transform_indices = @transform_3, window_bounds = array<i64: 2500, 128>}, {transform_indices = @transform_4, window_bounds = array<i64: 1, 10000, 128>}, {pipeline_mode = #tpu.pipeline_mode<synchronous>, transform_indices = @transform_5, window_bounds = array<i64: 2500, 128>}]} {
    %get3A = arith.constant 0 : index
    %get3A_0 = arith.constant 0 : index
    %get3A_1 = vector.load %arg1[%get3A, %get3A_0] : memref<10000x128xf32, #tpu.memory_space<vmem>>, vector<10000x128xf32>
    %get3A_2 = arith.constant 0 : index
    %get3A_3 = arith.constant 0 : index
    %get3A_4 = arith.constant 0 : index
    %get3A_5 = vector.load %arg2[%get3A_2, %get3A_3, %get3A_4] : memref<1x128x128xf32, #tpu.memory_space<vmem>>, vector<1x128x128xf32>
    %get3A_6 = vector.shape_cast %get3A_5 : vector<1x128x128xf32> to vector<128x128xf32>
    %dot_general3A = arith.constant dense<0.000000e+00> : vector<10000x128xf32>
    %dot_general3A_7 = tpu.matmul %get3A_1, %get3A_6, %dot_general3A {dimension_numbers = #tpu.dot_dimension_numbers<[1], [0], [0], [1], [0, 0, 1, 1], [], []>, transpose_lhs_hint = false} : vector<10000x128xf32>, vector<128x128xf32>, vector<10000x128xf32> -> vector<10000x128xf32>
    %swap3A = arith.constant 0 : index
    %swap3A_8 = arith.constant 0 : index
    %swap3A_9 = arith.constant 0 : index
    %swap3A_10 = vector.load %arg5[%swap3A, %swap3A_8, %swap3A_9] : memref<1x10000x128xf32, #tpu.memory_space<vmem>>, vector<1x10000x128xf32>
    %swap3A_11 = vector.shape_cast %swap3A_10 : vector<1x10000x128xf32> to vector<10000x128xf32>
    %swap3A_12 = vector.shape_cast %dot_general3A_7 : vector<10000x128xf32> to vector<1x10000x128xf32>
    tpu.vector_store %arg5[%swap3A, %swap3A_8, %swap3A_9], %swap3A_12 {strides = array<i32>} : memref<1x10000x128xf32, #tpu.memory_space<vmem>>, vector<1x10000x128xf32>,
    %eq3A = arith.constant 0 : i32
    %eq3A_13 = arith.cmpi eq, %arg0, %eq3A : i32
    %convert_element_type3A = arith.extui %eq3A_13 : i1 to i32
    %cond3A = arith.constant 0 : i32
    %cond3A_14 = arith.cmpi ne, %convert_element_type3A, %cond3A : i32
    scf.if %cond3A_14 {
      %get3A_15 = arith.constant 0 : index
      %get3A_16 = arith.constant 0 : index
      %get3A_17 = vector.load %arg3[%get3A_15, %get3A_16] : memref<2500x128xi32, #tpu.memory_space<vmem>>, vector<2500x128xi32>
      %mul3A = arith.constant 10000 : i32
      %mul3A_18 = vector.broadcast %mul3A : i32 to vector<2500x128xi32>
      %mul3A_19 = arith.muli %get3A_17, %mul3A_18 : vector<2500x128xi32>
      %get3A_20 = arith.constant 0 : index
      %get3A_21 = arith.constant 0 : index
      %get3A_22 = vector.load %arg4[%get3A_20, %get3A_21] : memref<2500x128xi32, #tpu.memory_space<vmem>>, vector<2500x128xi32>
      %add3A = arith.addi %mul3A_19, %get3A_22 : vector<2500x128xi32>
      %swap3A_23 = arith.constant 0 : index
      %swap3A_24 = arith.constant 0 : index
      %swap3A_25 = vector.load %arg6[%swap3A_23, %swap3A_24] : memref<2500x128xi32, #tpu.memory_space<vmem>>, vector<2500x128xi32>
      tpu.vector_store %arg6[%swap3A_23, %swap3A_24], %add3A {strides = array<i32>} : memref<2500x128xi32, #tpu.memory_space<vmem>>, vector<2500x128xi32>,
    } else {
    }
    return
  }
  func.func @transform_0(%arg0: i32) -> (i32, i32) {
    %c0_i32 = arith.constant 0 : i32
    %c0_i32_0 = arith.constant 0 : i32
    %c0_i32_1 = arith.constant 0 : i32
    return %c0_i32, %c0_i32_0 : i32, i32
  }
  func.func @transform_1(%arg0: i32) -> (i32, i32, i32) {
    %c0_i32 = arith.constant 0 : i32
    %c0_i32_0 = arith.constant 0 : i32
    %c0_i32_1 = arith.constant 0 : i32
    return %arg0, %c0_i32, %c0_i32_0 : i32, i32, i32
  }
  func.func @transform_2(%arg0: i32) -> (i32, i32) {
    %c0_i32 = arith.constant 0 : i32
    %c0_i32_0 = arith.constant 0 : i32
    %c0_i32_1 = arith.constant 0 : i32
    return %c0_i32, %c0_i32_0 : i32, i32
  }
  func.func @transform_3(%arg0: i32) -> (i32, i32) {
    %c0_i32 = arith.constant 0 : i32
    %c0_i32_0 = arith.constant 0 : i32
    %c0_i32_1 = arith.constant 0 : i32
    return %c0_i32, %c0_i32_0 : i32, i32
  }
  func.func @transform_4(%arg0: i32) -> (i32, i32, i32) {
    %c0_i32 = arith.constant 0 : i32
    %c0_i32_0 = arith.constant 0 : i32
    %c0_i32_1 = arith.constant 0 : i32
    return %arg0, %c0_i32, %c0_i32_0 : i32, i32, i32
  }
  func.func @transform_5(%arg0: i32) -> (i32, i32) {
    %c0_i32 = arith.constant 0 : i32
    %c0_i32_0 = arith.constant 0 : i32
    %c0_i32_1 = arith.constant 0 : i32
    return %c0_i32, %c0_i32_0 : i32, i32
  }
}

</mosaic_0001>

<sc_bundles>
// kernel: kernel.5.cloned.1.call-start
scs
__scs_entry_jumppad:
0x0: {  	(pc) =	sbr.rel $0x88, $3  }
0x1: {  	(tag) =	ssettag $0x0;
	lr =	simm.s32 $0x1  }
0x2: {  	[smem:$0x3F9B] =	sst lr;
	_ =	strace $0xD0000000  }
0x3: {  	_ = 	snop  }
0x4: {  	_ = 	snop  }
0x5: {  	_ = 	snop  }
0x6: {  	_ = 	snop  }
0x7: {  	_ = 	snop  }
__scs_overlays_trampoline_lowered:
0x8: {  	[smem:$0x3FAA] =	sst s0  }
0x9: {  	[smem:$0x3FAB] =	sst s1  }
0xa: {  	[smem:$0x3FAC] =	sst s2  }
0xb: {  	[smem:$0x3FAD] =	sst s3  }
0xc: {  	[smem:$0x3FAE] =	sst s4  }
0xd: {  	[smem:$0x3FAF] =	sst s5  }
0xe: {  	[smem:$0x3FB0] =	sst s6  }
0xf: {  	[smem:$0x3FB1] =	sst s7  }
0x10: {  	[smem:$0x3FB2] =	sst s8  }
0x11: {  	[smem:$0x3FB3] =	sst s9;
	s0 =	simm.s32 @!p0 $0x0  }
0x12: {  	s1 =	sld [smem:$0x3F99];
	s0 =	simm.s32 @p0 $0x1  }
0x13: {  	[smem:$0x3FB4] =	sst s0;
	s0 =	simm.s32 @!p1 $0x0  }
0x14: {  	s2 =	sld [smem:$0x3F98];
	s0 =	simm.s32 @p1 $0x1  }
0x15: {  	[smem:$0x3FB5] =	sst s0;
	s0 =	simm.s32 @!p2 $0x0  }
0x16: {  	s3 =	sld [smem:$0x3FDB];
	s0 =	simm.s32 @p2 $0x1  }
0x17: {  	s4 =	simm.s32 $0x1BF5;
	[smem:$0x3FB7] =	sst s0  }
0x18: {  	s0 =	sld [smem:$0x3F9A];
	_ =	swait.ge [sflag:s4], $0x0  }
0x19: {  	s7 =	sld [smem:$0x3F9B]  }
0x1a: {  	s8 =	sadd.s32 $0xFFFFE003, lr  }
0x1b: {  	s9 =	sadd.s32 $0xFFFFFEF7, lr;
	s5 =	simm.s32 $0xFFFFFFFF;
	p2 =	slt.u32 s8, $0xFFFFF086  }
0x1c: {  	p1 =	slt.u32 s9, $0xF7A;
	s5 =	simm.s32 @!p2 $0x0  }
0x1d: {  	s5 =	simm.s32 @p1 $0x1;
	p0 =	seq.s32 s7, s2  }
0x1e: {  	s7 =	smul.u32 @!p0 $0xF7A, s2;
	p2 =	seq.s32 @!p0 s5, $0x0  }
0x1f: {  	s9 =	smul.u32 $0xF7A, s1;
	s8 =	simm.s32 @!p0 $0x1BF5;
	p2 =	por !p2, p0  }
0x20: {  	[sflag:s8] =	ssyncset.s32 @!p0 $0xFFFFF086;
	s6 =	sadd.s32 @!p0 s3, s7;
	s7 =	simm.s32 @!p0 $0x108  }
0x21: {  	s3 =	sadd.s32 s3, s9;
	s6 =	sadd.s32 @!p0 $0x88, s6;
	s7 =	simm.s32 @p2 $0x1082  }
0x22: {  	[simem:s7], [sflag:s8] =	dma.local @!p0 [hbm:s6], $0xF7A  }
0x23: {  	s9 =	sor.u32 $0xD0000000, s2;
	s6 =	simm.s32 $0x108;
	_ =	swait.ge @!p0 [sflag:s8], $0x0  }
0x24: {  	s3 =	sadd.s32 $0x88, s3;
	s6 =	simm.s32 @!p1 $0x1082;
	[sflag:s4] =	ssyncset.s32 $0xFFFFF086  }
0x25: {  	[simem:s6], [sflag:s4] =	dma.local [hbm:s3], $0xF7A  }
0x26: {  	[smem:$0x3F9B] =	sst s1;
	(tag) =	ssettag s2;
	_ =	strace s9  }
0x27: {  	s1 =	sld [smem:$0x3FAB]  }
0x28: {  	s2 =	sld [smem:$0x3FAC]  }
0x29: {  	s4 =	sld [smem:$0x3FAE]  }
0x2a: {  	p0 =	seq.s32 s5, $0x0;
	s5 =	sld [smem:$0x3FAF]  }
0x2b: {  	s6 =	sld [smem:$0x3FB0]  }
0x2c: {  	s7 =	sld [smem:$0x3FB1]  }
0x2d: {  	s3 =	simm.s32 $0x108;
	s8 =	sld [smem:$0x3FB2]  }
0x2e: {  	s3 =	simm.s32 @!p0 $0x1082;
	s9 =	sld [smem:$0x3FB3]  }
0x2f: {  	lr =	sadd.s32 s0, s3;
	s0 =	sld [smem:$0x3FAA]  }
0x30: {  	s3 =	sld [smem:$0x3FAD]  }
0x31: {  	[smem:$0x3FB6] =	sst s10  }
0x32: {  	s10 =	sld [smem:$0x3FB4];
	_ =	sdelay $0x3  }
0x33: {  	p0 =	seq.s32 s10, $0x1;
	s10 =	sld [smem:$0x3FB6];
	_ =	sdelay $0x3  }
0x34: {  	[smem:$0x3FB6] =	sst s10  }
0x35: {  	s10 =	sld [smem:$0x3FB5];
	_ =	sdelay $0x3  }
0x36: {  	p1 =	seq.s32 s10, $0x1;
	s10 =	sld [smem:$0x3FB6];
	_ =	sdelay $0x3  }
0x37: {  	[smem:$0x3FB6] =	sst s10  }
0x38: {  	s10 =	sld [smem:$0x3FB7]  }
0x39: {  	_ = 	snop;
	(pc) =	sbr.ind lr, $3  }
0x3a: {  	_ = 	snop  }
0x3b: {  	_ = 	snop  }
0x3c: {  	p2 =	seq.s32 s10, $0x1;
	s10 =	sld [smem:$0x3FB6]  }
0x3d: {  	_ =	shalt  }
0x3e: {  	_ =	shalt  }
0x3f: {  	_ =	shalt  }
0x40: {  	_ =	shalt  }
0x41: {  	_ =	shalt  }
0x42: {  	_ =	shalt  }
0x43: {  	_ =	shalt  }
0x44: {  	_ =	shalt  }
0x45: {  	_ =	shalt  }
0x46: {  	_ =	shalt  }
0x47: {  	_ =	shalt  }
0x48: {  	_ =	shalt  }
0x49: {  	_ =	shalt  }
0x4a: {  	_ =	shalt  }
0x4b: {  	_ =	shalt  }
0x4c: {  	_ =	shalt  }
0x4d: {  	_ =	shalt  }
0x4e: {  	_ =	shalt  }
0x4f: {  	_ =	shalt  }
0x50: {  	_ =	shalt  }
0x51: {  	_ =	shalt  }
0x52: {  	_ =	shalt  }
0x53: {  	_ =	shalt  }
0x54: {  	_ =	shalt  }
0x55: {  	_ =	shalt  }
0x56: {  	_ =	shalt  }
0x57: {  	_ =	shalt  }
0x58: {  	_ =	shalt  }
0x59: {  	_ =	shalt  }
0x5a: {  	_ =	shalt  }
0x5b: {  	_ =	shalt  }
0x5c: {  	_ =	shalt  }
0x5d: {  	_ =	shalt  }
0x5e: {  	_ =	shalt  }
0x5f: {  	_ =	shalt  }
0x60: {  	_ =	shalt  }
0x61: {  	_ =	shalt  }
0x62: {  	_ =	shalt  }
0x63: {  	_ =	shalt  }
0x64: {  	_ =	shalt  }
0x65: {  	_ =	shalt  }
0x66: {  	_ =	shalt  }
0x67: {  	_ =	shalt  }
0x68: {  	_ =	shalt  }
0x69: {  	_ =	shalt  }
0x6a: {  	_ =	shalt  }
0x6b: {  	_ =	shalt  }
0x6c: {  	_ =	shalt  }
0x6d: {  	_ =	shalt  }
0x6e: {  	_ =	shalt  }
0x6f: {  	_ =	shalt  }
0x70: {  	_ =	shalt  }
0x71: {  	_ =	shalt  }
0x72: {  	_ =	shalt  }
0x73: {  	_ =	shalt  }
0x74: {  	_ =	shalt  }
0x75: {  	_ =	shalt  }
0x76: {  	_ =	shalt  }
0x77: {  	_ =	shalt  }
0x78: {  	_ =	shalt  }
0x79: {  	_ =	shalt  }
0x7a: {  	_ =	shalt  }
0x7b: {  	_ =	shalt  }
0x7c: {  	_ =	shalt  }
0x7d: {  	_ =	shalt  }
0x7e: {  	_ =	shalt  }
0x7f: {  	_ =	shalt  }
0x80: {  	_ =	shalt  }
0x81: {  	_ =	shalt  }
0x82: {  	_ =	shalt  }
0x83: {  	_ =	shalt  }
0x84: {  	_ =	shalt  }
0x85: {  	_ =	shalt  }
0x86: {  	_ =	shalt  }
0x87: {  	_ =	shalt  }
.Lfunc_end0:
.L_simem_size_0:
called_computation_lowered:
.L_overlay_start_0:
0x88: {  	s2 =	sld [smem:$0x3FD9]  }
0x89: {  	s3 =	sld [smem:$0x3FFE];
	_ =	sdelay $0x1  }
0x8a: {  	s1 =	srdreg.scid  }
0x8b: {  	s0 =	sand.u32 $0x1, s1  }
0x8c: {  	s17 =	sshll.u32 s0, $0xA;
	s2 =	sadd.s32 s3, s2  }
0x8d: {  	s2 =	sadd.s32 s2, s17  }
0x8e: {  	[smem:$0x3FC2] =	sst s2  }
0x8f: {  	_ = 	snop  }
0x90: {  	s2 =	sld [smem:$0x3FD0];
	(tm) =	ssettm $0x1  }
0x91: {  	s18 =	sld [smem:$0x3FFB];
	_ =	sdelay $0x3  }
0x92: {  	_ =	strace s18  }
0x93: {  	s3 =	sld [smem:$0x3FFC];
	_ =	sdelay $0x3  }
0x94: {  	_ =	strace s3  }
0x95: {  	s3 =	sld [smem:$0x3FFD];
	_ =	sdelay $0x3  }
0x96: {  	_ =	strace s3  }
0x97: {  	_ =	strace $0x8FFFFFFF  }
0x98: {  	s19 =	sld [smem:$0x3FDB];
	_ =	sdelay $0x1  }
0x99: {  	s4 =	simm.s32 $_scs_section_size  }
0x9a: {  	s5 =	simm.s32 $_size__tile_overlayer_lowered;
	s6 =	simm.s32 $_tile_overlayer_lowered  }
0x9b: {  	s22 =	simm.s32 $0x1BFF;
	s21 =	sshll.u32 s6, $0x1;
	s3 =	sadd.s32 s4, s19  }
0x9c: {  	s7 =	simm.s32 $0x0;
	s20 =	sshll.u32 s5, $0x1;
	s5 =	sadd.s32 s21, s3  }
0x9d: {  	[timem:s7], [sflag:s22] =	dma.local [hbm:s5], s20  }
0x9e: {  	_ =	swait.ge [sflag:s22], s20  }
0x9f: {  	s4 =	ssub.s32 $0x0, s20;
	[sflag:s22] =	ssyncset.done $0x0  }
0xa0: {  	[sflag:s22] =	ssyncadd.s32 s4;
	_ =	sdelay $0x1  }
0xa1: {  	s23 =	simm.s32 $0x1B8B  }
0xa2: {  	_ =	swait.ge [sflag:s23], $0x1  }
0xa3: {  	[sflag:s23] =	ssyncset.done $0x0  }
0xa4: {  	s25 =	simm.s32 $0x1B8E;
	s24 =	sld [smem:$0x3FFE];
	[sflag:s23] =	ssyncadd.s32 $0xFFFFFFFF  }
0xa5: {  	s26 =	simm.s32 $execute0_lowered;
	[smem:$0x3FD2] =	sst s25  }
0xa6: {  	s5 =	sshll.u32 s26, $0x1;
	_ =	strace $0x80000046;
	[dreg:$0x1] =	wrdreg $0xFFFFFFFF  }
0xa7: {  	s28 =	simm.s32 $_size_execute0_lowered;
	s3 =	sadd.s32 s3, s5;
	[dreg:$0x0] =	wrdreg $0x0  }
0xa8: {  	s5 =	sshll.u32 s28, $0x1;
	[dreg:$0x2] =	wrdreg s3  }
0xa9: {  	[dreg:$0x3] =	wrdreg s5  }
0xaa: {  	[dreg:$0x4] =	wrdreg $0xC0  }
0xab: {  	_ =	task [dreg:s7], $0x5FFFF  }
0xac: {  	[dreg:$0x1] =	wrdreg $0xFFFFFFFF  }
0xad: {  	[dreg:$0x0] =	wrdreg $0x60  }
0xae: {  	[dreg:$0x2] =	wrdreg s24  }
0xaf: {  	[dreg:$0x3] =	wrdreg s2  }
0xb0: {  	[dreg:$0x4] =	wrdreg $0x0  }
0xb1: {  	[dreg:$0x5] =	wrdreg $0x9  }
0xb2: {  	_ =	task.clear_ibuf [dreg:s7], $0x6FFFF;
	_ =	strace $0x90000046  }
0xb3: {  	s29 =	simm.s32 $0x9;
	_ =	strace $0x80000048  }
0xb4: {  	_ =	swait.ge [sflag:s29], $0x1  }
0xb5: {  	[sflag:s29] =	ssyncadd.s32 $0xFFFFFFFF  }
0xb6: {  	_ =	strace $0x90000048  }
0xb7: {  	_ =	sfence  }
0xb8: {  	s30 =	sld [smem:$0x0];
	_ =	sdelay $0x2  }
0xb9: {  	s31 =	sshll.u32 s1, $0xD;
	s1 =	sshrl.u32 s1, $0x2  }
0xba: {  	s3 =	sand.u32 $0x4000, s31;
	s1 =	sadd.s32 s1, s30  }
0xbb: {  	s0 =	sor.u32 s3, s0;
	s1 =	sshll.u32 s1, $0x11  }
0xbc: {  	s0 =	sor.u32 s1, s0  }
0xbd: {  	s0 =	sadd.s32 $0x8F2B, s0  }
0xbe: {  	[sflag:s0] =	ssyncadd.remote.s32 $0x1  }
0xbf: {  	_ =	sfence.sel $0xFFFF  }
0xc0: {  	[dreg:$0x0] =	wrdreg $0xFFFFFFFF;
	(pc) =	sbr.abs _section_cstart, $3  }
0xc1: {  	[dreg:$0x1] =	wrdreg $0xFFFFFFFF  }
0xc2: {  	_ =	task.clear_ibuf [dreg:s7], $0x2FFFF;
	_ =	strace $0x9FFFFFFF  }
0xc3: {  	(tm) =	ssettm $0x7FFFFFFF  }
tec
execute0_lowered:
.L_overlay_start_1:
0x0: {  	(tag) =	ssettag $0x1  }
0x1: {  	s0 =	rddreg [dreg:$0x0]  }
0x2: {  	s3 =	rddreg [dreg:$0x1]  }
0x3: {  	s1 =	rddreg [dreg:$0x2];
	s2 =	simm.s32 $0x0  }
0x4: {  	s5 =	srdreg.scid;
	s12 =	stileid.u32;
	s30 =	simm.s32 $0x13880  }
0x5: {  	s31 =	simm.s32 $0x13A80;
	s29 =	simm.s32 $0x8;
	s28 =	simm.s32 $0x1B480  }
0x6: {  	[smem:$0x7FF] =	sst s2;
	s4 =	sadd.s32 $0xAA00, s0;
	s10 =	smul.u32 $0x50000, s12  }
0x7: {  	s7 =	sand.u32 $0x1, s5;
	s5 =	sadd.s32 $0x429600, s0;
	s13 =	smul.u32 $0x2800, s12  }
0x8: {  	s26 =	smul.u32 $0x2710, s12;
	p0 =	seq.s32 s12, $0xF;
	_ =	strace $0x80000047  }
0x9: {  	s8 =	smul.u32 $0x27100, s7;
	s6 =	sshll.u32 s7, $0x4;
	s7 =	ssub.s32 $0x2, s7  }
0xa: {  	s9 =	sor.u32 s12, s6;
	s6 =	sadd.s32 $0xC00, s0;
	s11 =	sshrl.u32 s7, $0x1  }
0xb: {  	s10 =	sshrl.u32 s10, $0x2;
	[dreg:$0x4] =	wrdreg s13;
	s20 =	sadd.s32 s3, s13  }
0xc: {  	s3 =	sadd.s32 $0x25800, s3;
	s12 =	simm.s32 $0x50;
	s9 =	smul.u32 $0x2710, s9  }
0xd: {  	s0 =	sadd.s32 s8, s0;
	s7 =	ssub.s32 s7, s11;
	[dreg:$0x6] =	wrdreg s20  }
0xe: {  	s10 =	sadd.s32 s10, s1;
	[dreg:$0x7] =	wrdreg s3;
	s8 =	sadd.s32 s26, s8  }
0xf: {  	s11 =	simm.s32 $0x1;
	[dreg:$0x5] =	wrdreg s10;
	s0 =	sadd.s32 $0x433400, s0  }
0x10: {  	s16 =	sadd.s32 $0x230, s8;
	s17 =	smax.u32 s7, $0x1;
	s18 =	sadd.s32 $0x1E0, s8  }
0x11: {  	s20 =	sadd.s32 $0x190, s8;
	s10 =	simm.s32 $0x13C00;
	[dreg:$0x10] =	wrdreg s0  }
0x12: {  	s7 =	simm.s32 $0x5;
	s21 =	sshrl.u32 s9, $0x3;
	[dreg:$0x11] =	wrdreg s17  }
0x13: {  	s0 =	sshrl.u32 s16, $0x3;
	s17 =	simm.s32 $0x9;
	s9 =	sadd.s32 s5, s21  }
0x14: {  	s22 =	sadd.s32 s6, s21;
	s23 =	sadd.s32 $0xA, s21;
	[dreg:$0x8] =	wrdreg s9  }
0x15: {  	s25 =	sadd.s32 $0x14, s21;
	s19 =	sadd.s32 s0, s6;
	[dreg:$0x9] =	wrdreg s22  }
0x16: {  	s3 =	sadd.s32 $0x1E, s21;
	s0 =	sadd.s32 s0, s5;
	[dreg:$0x12] =	wrdreg s19  }
0x17: {  	s21 =	sshrl.u32 s20, $0x3;
	s24 =	sadd.s32 s5, s23;
	[dreg:$0x13] =	wrdreg s0  }
0x18: {  	s20 =	simm.s32 $0x4;
	s9 =	sadd.s32 s6, s23;
	[dreg:$0xa] =	wrdreg s24  }
0x19: {  	s13 =	sadd.s32 s5, s25;
	s14 =	sadd.s32 s6, s25;
	[dreg:$0xb] =	wrdreg s9  }
0x1a: {  	s15 =	sadd.s32 s5, s3;
	s3 =	sadd.s32 s6, s3;
	[dreg:$0xc] =	wrdreg s13  }
0x1b: {  	s25 =	sadd.s32 s21, s6;
	s26 =	sadd.s32 s21, s5;
	[dreg:$0xd] =	wrdreg s14  }
0x1c: {  	s23 =	sadd.s32 $0x140, s8;
	s8 =	simm.s32 $0x13B80;
	[dreg:$0xe] =	wrdreg s15  }
0x1d: {  	s19 =	simm.s32 $0xB;
	s21 =	simm.s32 $0x0;
	[dreg:$0xf] =	wrdreg s3  }
.Ltmp0:
0x1e: {  	s3 =	sshrl.u32 s18, $0x3;
	[dreg:$0x16] =	wrdreg s23;
	(pc) =	sbr.rel .LBB2_1-.Ltmp0, $4  }
0x1f: {  	s24 =	sadd.s32 $0x12C000, s1;
	s9 =	simm.s32 $0x13A00;
	s13 =	simm.s32 $0x13C80  }
0x20: {  	s14 =	simm.s32 $0x2;
	s22 =	sadd.s32 s3, s6;
	[dreg:$0x17] =	wrdreg s24  }
0x21: {  	s15 =	simm.s32 $0x6;
	s3 =	sadd.s32 s3, s5;
	[dreg:$0x14] =	wrdreg s22  }
0x22: {  	s18 =	simm.s32 $0xD;
	[dreg:$0x15] =	wrdreg s3;
	s3 =	simm.s32 $0xC  }
.LBB2_9:
0x23: {  	[bflag:$0x0] =	sbarrier.arrive $0xFFFF  }
0x24: {  	s21 =	rddreg [dreg:$0x10]  }
0x25: {  	s16 =	simm.s32 @p0 $0x1FCD;
	s22 =	rddreg [dreg:$0x19];
	s0 =	sadd.s32 @p0 $0x25800, s21  }
0x26: {  	[hbm:s0], [sflag:s16] =	dma.local @p0 [spmem:s22], $0x1900  }
0x27: {  	s0 =	simm.s32 @p0 $0xD  }
0x28: {  	_ =	swait.ge @p0 [sflag:s0], $0x1900  }
0x29: {  	[sflag:s0] =	ssyncset.done @p0 $0x0;
	s16 =	rddreg [dreg:$0x1a]  }
0x2a: {  	[sflag:s0] =	ssyncadd.s32 @p0 $0xFFFFE700;
	s0 =	rddreg [dreg:$0x4]  }
0x2b: {  	s0 =	sadd.s32 @!p0 s0, s21;
	s21 =	rddreg [dreg:$0x1b]  }
0x2c: {  	[hbm:s0], [sflag:s16] =	dma.local @!p0 [spmem:s21], $0x2800  }
0x2d: {  	s0 =	simm.s32 @!p0 $0xD  }
0x2e: {  	_ =	swait.ge @!p0 [sflag:s0], $0x2800  }
0x2f: {  	s23 =	rddreg [dreg:$0x18]  }
0x30: {  	s24 =	rddreg [dreg:$0x11];
	s21 =	sadd.s32 $0x1, s23  }
0x31: {  	p1 =	sne.s32 s21, s24  }
.Ltmp1:
0x32: {  	_ = 	snop;
	(pc) =	sbr.rel @!p1 .LBB2_10-.Ltmp1, $3  }
0x33: {  	_ =	sdelay $0x1  }
0x34: {  	[sflag:s0] =	ssyncset.done @!p0 $0x0  }
0x35: {  	[sflag:s0] =	ssyncadd.s32 @!p0 $0xFFFFD800  }
.LBB2_1:
0x36: {  	[dreg:$0x18] =	wrdreg s21  }
0x37: {  	s0 =	rddreg [dreg:$0x17]  }
0x38: {  	s16 =	rddreg [dreg:$0x7];
	s21 =	sshrl.u32 @p0 s0, $0x3  }
0x39: {  	s0 =	simm.s32 @p0 $0x1FCD;
	[dreg:$0x19] =	wrdreg s21  }
0x3a: {  	[spmem:s21], [sflag:s0] =	dma.local @p0 [hbm:s16], $0x1900  }
0x3b: {  	s0 =	simm.s32 @p0 $0xD  }
0x3c: {  	s16 =	stileid.u32;
	_ =	swait.ge @p0 [sflag:s0], $0x1900  }
0x3d: {  	s16 =	sshll.u32 @!p0 s16, $0x6;
	[sflag:s0] =	ssyncset.done @p0 $0x0  }
0x3e: {  	s16 =	sor.u32 @!p0 $0x1C0D, s16;
	[sflag:s0] =	ssyncadd.s32 @p0 $0xFFFFE700;
	s0 =	rddreg [dreg:$0x5]  }
0x3f: {  	[dreg:$0x1a] =	wrdreg s16  }
0x40: {  	s21 =	sshrl.u32 @!p0 s0, $0x3;
	s0 =	rddreg [dreg:$0x6]  }
0x41: {  	[dreg:$0x1b] =	wrdreg s21  }
0x42: {  	[spmem:s21], [sflag:s16] =	dma.local @!p0 [hbm:s0], $0x2800  }
0x43: {  	s0 =	simm.s32 @!p0 $0xD  }
0x44: {  	_ =	swait.ge @!p0 [sflag:s0], $0x2800  }
0x45: {  	[sflag:s0] =	ssyncset.done @!p0 $0x0  }
0x46: {  	s22 =	rddreg [dreg:$0x8];
	[sflag:s0] =	ssyncadd.s32 @!p0 $0xFFFFD800  }
0x47: {  	[tilespmem:s30], [sflag:$0x1] =	stream.linear.gather [hbm4b:s22+s2], $0x50, $0x38;
	[tilespmem:$0x1DC80] =	vst v63  }
0x48: {  	s23 =	rddreg [dreg:$0x9]  }
0x49: {  	[tilespmem:s31], [sflag:$0x5] =	stream.linear.gather [hbm4b:s23+s2], $0x50, $0x38;
	[tilespmem:$0x1DC80] =	vst v63  }
0x4a: {  	s16 =	simm.s32 $0x13900;
	s24 =	rddreg [dreg:$0xa]  }
0x4b: {  	[tilespmem:s16], [sflag:$0x2] =	stream.linear.gather [hbm4b:s24+s2], $0x50, $0x38;
	[tilespmem:$0x1DC80] =	vst v63  }
0x4c: {  	s21 =	rddreg [dreg:$0xb];
	s22 =	simm.s32 $0x13B00  }
0x4d: {  	[tilespmem:s22], [sflag:$0x6] =	stream.linear.gather [hbm4b:s21+s2], $0x50, $0x38;
	[tilespmem:$0x1DC80] =	vst v63  }
0x4e: {  	s23 =	rddreg [dreg:$0xc];
	s24 =	simm.s32 $0x13980  }
0x4f: {  	[tilespmem:s24], [sflag:$0x3] =	stream.linear.gather [hbm4b:s23+s2], $0x50, $0x38;
	[tilespmem:$0x1DC80] =	vst v63  }
0x50: {  	s21 =	rddreg [dreg:$0xd]  }
0x51: {  	[tilespmem:s8], [sflag:$0x7] =	stream.linear.gather [hbm4b:s21+s2], $0x50, $0x38;
	[tilespmem:$0x1DC80] =	vst v63  }
0x52: {  	s22 =	rddreg [dreg:$0xe]  }
0x53: {  	[tilespmem:s9], [sflag:$0x4] =	stream.linear.gather [hbm4b:s22+s2], $0x50, $0x38;
	[tilespmem:$0x1DC80] =	vst v63  }
0x54: {  	s23 =	rddreg [dreg:$0xf]  }
0x55: {  	[tilespmem:s10], [sflag:$0x8] =	stream.linear.gather [hbm4b:s23+s2], $0x50, $0x38;
	[tilespmem:$0x1DC80] =	vst v63  }
0x56: {  	[bflag:$0x0] =	sbarrier.arrive $0xFFFF  }
0x57: {  	_ =	swait.ge [sflag:s11], $0x50  }
0x58: {  	[sflag:s11] =	ssyncset.done $0x0  }
0x59: {  	[sflag:s11] =	ssyncadd.s32 $0xFFFFFFB0  }
0x5a: {  	_ =	swait.ge [sflag:s7], $0x50  }
0x5b: {  	[sflag:s7] =	ssyncset.done $0x0  }
0x5c: {  	[sflag:s7] =	ssyncadd.s32 $0xFFFFFFB0  }
0x5d: {  	[tilespmem:s13], [sflag:$0x9] =	stream.indirect.gather [hbm4b:s4+s12], $0x80, s30, s12, $0xb8;
	[tilespmem:$0x1DC80] =	vst v63  }
0x5e: {  	_ =	swait.ge [sflag:s14], $0x50  }
0x5f: {  	[sflag:s14] =	ssyncset.done $0x0  }
0x60: {  	[sflag:s14] =	ssyncadd.s32 $0xFFFFFFB0  }
.Ltmp2:
0x61: {  	_ =	swait.ge [sflag:s15], $0x50;
	(pc) =	sbr.rel .LBB2_2-.Ltmp2, $4  }
0x62: {  	[sflag:s15] =	ssyncset.done $0x0  }
0x63: {  	s24 =	simm.s32 $0x16480;
	[sflag:s15] =	ssyncadd.s32 $0xFFFFFFB0  }
0x64: {  	[tilespmem:s24], [sflag:$0xA] =	stream.indirect.gather [hbm4b:s4+s12], $0x80, s16, s12, $0xb8;
	[tilespmem:$0x1DC80] =	vst v63  }
0x65: {  	s0 =	simm.s32 $0x0;
	s21 =	simm.s32 $0x0;
	s16 =	rddreg [dreg:$0x16]  }
.LBB2_7:
0x66: {  	s22 =	rddreg [dreg:$0x15]  }
0x67: {  	s23 =	simm.s32 $0x13980;
	s24 =	rddreg [dreg:$0x14];
	s22 =	sadd.s32 s0, s22  }
0x68: {  	[tilespmem:s23], [sflag:$0x3] =	stream.linear.gather [hbm4b:s22+s2], $0x50, $0x38;
	[tilespmem:$0x1DC80] =	vst v63  }
0x69: {  	s22 =	sadd.s32 s0, s24  }
0x6a: {  	[tilespmem:s8], [sflag:$0x7] =	stream.linear.gather [hbm4b:s22+s2], $0x50, $0x38;
	[tilespmem:$0x1DC80] =	vst v63  }
0x6b: {  	_ =	swait.ge [sflag:s14], $0x50  }
0x6c: {  	[sflag:s14] =	ssyncset.done $0x0  }
0x6d: {  	[sflag:s14] =	ssyncadd.s32 $0xFFFFFFB0  }
0x6e: {  	_ =	swait.ge [sflag:s15], $0x50  }
0x6f: {  	[sflag:s15] =	ssyncset.done $0x0  }
0x70: {  	s23 =	simm.s32 $0x13900;
	s24 =	simm.s32 $0x16480;
	[sflag:s15] =	ssyncadd.s32 $0xFFFFFFB0  }
0x71: {  	[tilespmem:s24], [sflag:$0xA] =	stream.indirect.gather [hbm4b:s4+s12], $0x80, s23, s12, $0xb8;
	[tilespmem:$0x1DC80] =	vst v63  }
0x72: {  	_ =	swait.ge [sflag:s3], $0x2800  }
0x73: {  	[sflag:s3] =	ssyncset.done $0x0  }
0x74: {  	[sflag:s3] =	ssyncadd.s32 $0xFFFFD800  }
0x75: {  	[spmem:s1] =	stream.indirect.scatter.add.f32 [tilespmem:s28], [sflag:$0xD], $0x80, s10, s12, $0xb8;
	[tilespmem:$0x1DC80] =	vst v63  }
0x76: {  	_ =	swait.ge [sflag:s18], $0x2800  }
0x77: {  	[sflag:s18] =	ssyncset.done $0x0;
	s23 =	rddreg [dreg:$0x13]  }
0x78: {  	s24 =	rddreg [dreg:$0x12];
	[sflag:s18] =	ssyncadd.s32 $0xFFFFD800;
	s22 =	sadd.s32 s0, s23  }
0x79: {  	[tilespmem:s9], [sflag:$0x4] =	stream.linear.gather [hbm4b:s22+s2], $0x50, $0x38;
	[tilespmem:$0x1DC80] =	vst v63  }
0x7a: {  	s22 =	sadd.s32 s0, s24  }
0x7b: {  	[tilespmem:s10], [sflag:$0x8] =	stream.linear.gather [hbm4b:s22+s2], $0x50, $0x38;
	[tilespmem:$0x1DC80] =	vst v63  }
.LBB2_8:
0x7c: {  	s21 =	sadd.s32 $0x1, s21;
	s0 =	sadd.s32 $0x28, s0;
	s16 =	sadd.s32 $0x140, s16  }
.LBB2_2:
0x7d: {  	p1 =	sgt.u32 s21, $0x1E  }
0x7e: {  	s22 =	simm.s32 @!p1 $0x3  }
0x7f: {  	_ =	swait.ge @!p1 [sflag:s22], $0x50  }
0x80: {  	[sflag:s22] =	ssyncset.done @!p1 $0x0  }
0x81: {  	[sflag:s22] =	ssyncadd.s32 @!p1 $0xFFFFFFB0;
	s22 =	simm.s32 @!p1 $0x7  }
0x82: {  	_ =	swait.ge @!p1 [sflag:s22], $0x50  }
0x83: {  	s23 =	simm.s32 @!p1 $0x13980;
	[sflag:s22] =	ssyncset.done @!p1 $0x0  }
0x84: {  	s24 =	simm.s32 @!p1 $0x18C80;
	[sflag:s22] =	ssyncadd.s32 @!p1 $0xFFFFFFB0;
	s22 =	simm.s32 @!p1 $0x50  }
0x85: {  	[tilespmem:s24], [sflag:$0xB] =	stream.indirect.gather @!p1 [hbm4b:s4+s22], $0x80, s23, s22, $0xb8;
	[tilespmem:$0x1DC80] =	vst v63  }
0x86: {  	_ =	swait.ge [sflag:s17], $0x2800  }
0x87: {  	p2 =	seq.s32 s0, $0x4D8;
	[sflag:s17] =	ssyncset.done $0x0  }
.Ltmp3:
0x88: {  	[sflag:s17] =	ssyncadd.s32 $0xFFFFD800;
	(pc) =	sbr.rel @p2 .LBB2_9-.Ltmp3, $4  }
0x89: {  	[spmem:s1] =	stream.indirect.scatter.add.f32 [tilespmem:s13], [sflag:$0xD], $0x80, s31, s12, $0xb8;
	[tilespmem:$0x1DC80] =	vst v63  }
0x8a: {  	_ =	swait.ge [sflag:s18], $0x2800  }
0x8b: {  	[sflag:s18] =	ssyncset.done $0x0  }
0x8c: {  	[sflag:s18] =	ssyncadd.s32 $0xFFFFD800  }
0x8d: {  	s23 =	sshrl.u32 s16, $0x3  }
0x8e: {  	s24 =	sadd.s32 s5, s23  }
0x8f: {  	[tilespmem:s30], [sflag:$0x1] =	stream.linear.gather [hbm4b:s24+s2], $0x50, $0x38;
	[tilespmem:$0x1DC80] =	vst v63  }
0x90: {  	s23 =	sadd.s32 s6, s23  }
0x91: {  	[tilespmem:s31], [sflag:$0x5] =	stream.linear.gather [hbm4b:s23+s2], $0x50, $0x38;
	[tilespmem:$0x1DC80] =	vst v63  }
0x92: {  	_ =	swait.ge [sflag:s20], $0x50  }
0x93: {  	[sflag:s20] =	ssyncset.done $0x0  }
0x94: {  	[sflag:s20] =	ssyncadd.s32 $0xFFFFFFB0  }
0x95: {  	_ =	swait.ge [sflag:s29], $0x50  }
0x96: {  	[sflag:s29] =	ssyncset.done $0x0  }
0x97: {  	s23 =	simm.s32 @!p1 $0xA;
	[sflag:s29] =	ssyncadd.s32 $0xFFFFFFB0  }
0x98: {  	[tilespmem:s28], [sflag:$0xC] =	stream.indirect.gather [hbm4b:s4+s12], $0x80, s9, s12, $0xb8;
	[tilespmem:$0x1DC80] =	vst v63  }
0x99: {  	_ =	swait.ge @!p1 [sflag:s23], $0x2800  }
0x9a: {  	[sflag:s23] =	ssyncset.done @!p1 $0x0  }
0x9b: {  	s24 =	simm.s32 @!p1 $0x16480;
	[sflag:s23] =	ssyncadd.s32 @!p1 $0xFFFFD800;
	s23 =	simm.s32 @!p1 $0x13B00  }
0x9c: {  	[spmem:s1] =	stream.indirect.scatter.add.f32 @!p1 [tilespmem:s24], [sflag:$0xD], $0x80, s23, s22, $0xb8;
	[tilespmem:$0x1DC80] =	vst v63  }
0x9d: {  	p2 =	seq.s32 @!p1 s0, $0x4B0;
	s22 =	simm.s32 @!p1 $0xD  }
0x9e: {  	p3 =	por p2, p1;
	_ =	swait.ge @!p1 [sflag:s22], $0x2800  }
0x9f: {  	s23 =	simm.s32 @!p3 $0x0;
	[sflag:s22] =	ssyncset.done @!p1 $0x0  }
0xa0: {  	s24 =	simm.s32 @!p3 $0x13900;
	[sflag:s22] =	ssyncadd.s32 @!p1 $0xFFFFD800;
	s22 =	sadd.s32 @!p3 s0, s26  }
0xa1: {  	[tilespmem:s24], [sflag:$0x2] =	stream.linear.gather @!p3 [hbm4b:s22+s23], $0x50, $0x38;
	[tilespmem:$0x1DC80] =	vst v63  }
0xa2: {  	s22 =	sadd.s32 @!p3 s0, s25;
	s24 =	simm.s32 @!p3 $0x13B00  }
0xa3: {  	[tilespmem:s24], [sflag:$0x6] =	stream.linear.gather @!p3 [hbm4b:s22+s23], $0x50, $0x38;
	[tilespmem:$0x1DC80] =	vst v63  }
0xa4: {  	_ =	swait.ge [sflag:s11], $0x50  }
0xa5: {  	[sflag:s11] =	ssyncset.done $0x0  }
.Ltmp4:
0xa6: {  	p4 =	por @!p1 $0x0, $0x0;
	[sflag:s11] =	ssyncadd.s32 $0xFFFFFFB0;
	(pc) =	sbr.rel @p1 .LBB2_6-.Ltmp4, $4  }
0xa7: {  	p2 =	por !p2, p1;
	p3 =	por @!p3 $0x1, $0x1;
	_ =	swait.ge [sflag:s7], $0x50  }
0xa8: {  	p3 =	por @!p2 p4, p4;
	p2 =	por $0x0, $0x0;
	[sflag:s7] =	ssyncset.done $0x0  }
0xa9: {  	p2 =	por @!p1 p3, p3;
	[sflag:s7] =	ssyncadd.s32 $0xFFFFFFB0  }
0xaa: {  	[tilespmem:s13], [sflag:$0x9] =	stream.indirect.gather [hbm4b:s4+s12], $0x80, s30, s12, $0xb8;
	[tilespmem:$0x1DC80] =	vst v63  }
0xab: {  	_ =	swait.ge [sflag:s19], $0x2800  }
0xac: {  	[sflag:s19] =	ssyncset.done $0x0  }
0xad: {  	s22 =	simm.s32 $0x18C80;
	[sflag:s19] =	ssyncadd.s32 $0xFFFFD800  }
0xae: {  	[spmem:s1] =	stream.indirect.scatter.add.f32 [tilespmem:s22], [sflag:$0xD], $0x80, s8, s12, $0xb8;
	[tilespmem:$0x1DC80] =	vst v63  }
.Ltmp5:
0xaf: {  	_ = 	snop;
	(pc) =	sbr.rel @p2 .LBB2_7-.Ltmp5, $4  }
.Ltmp6:
0xb0: {  	_ = 	snop;
	(pc) =	sbr.rel @!p2 .LBB2_5-.Ltmp6, $4  }
0xb1: {  	_ =	swait.ge [sflag:s18], $0x2800  }
0xb2: {  	[sflag:s18] =	ssyncset.done $0x0  }
0xb3: {  	[sflag:s18] =	ssyncadd.s32 $0xFFFFD800  }
0xb4: {  	_ = 	snop  }
.LBB2_6:
.Ltmp7:
0xb5: {  	(pc) =	sbr.rel @p2 .LBB2_7-.Ltmp7, $1  }
0xb6: {  	_ =	sdelay $0x3  }
.LBB2_5:
0xb7: {  	_ =	swait.ge [sflag:s3], $0x2800  }
0xb8: {  	[sflag:s3] =	ssyncset.done $0x0  }
.Ltmp8:
0xb9: {  	[sflag:s3] =	ssyncadd.s32 $0xFFFFD800;
	(pc) =	sbr.rel .LBB2_8-.Ltmp8, $4  }
0xba: {  	[spmem:s1] =	stream.indirect.scatter.add.f32 [tilespmem:s28], [sflag:$0xD], $0x80, s10, s12, $0xb8;
	[tilespmem:$0x1DC80] =	vst v63  }
0xbb: {  	_ =	swait.ge [sflag:s18], $0x2800  }
0xbc: {  	[sflag:s18] =	ssyncset.done $0x0  }
0xbd: {  	[sflag:s18] =	ssyncadd.s32 $0xFFFFD800  }
.LBB2_10:
0xbe: {  	_ =	sfence.sel $0x180000  }
0xbf: {  	[bflag:$0x0] =	sbarrier.arrive $0xFFFF  }
0xc0: {  	_ =	strace $0x90000047  }
0xc1: {  	s0 =	stileid.u32;
	[bflag:$0x2] =	sbarrier.arrive $0xFFFF  }
0xc2: {  	p0 =	sne.s32 s0, $0x0;
	s0 =	rddreg [dreg:$0x3]  }
0xc3: {  	s0 =	sadd.s32 @!p0 $0x100000, s0  }
0xc4: {  	[sflag:s0] =	ssyncadd.tile.s32 @!p0 $0x1;
	_ =	shalt  }
.Lfunc_end2:
_tile_overlayer_lowered:
.L_overlay_start_2:
0xc5: {  	(tag) =	ssettag $0x2  }
0xc6: {  	s0 =	rddreg [dreg:$0x0];
	s2 =	stileid.u32  }
0xc7: {  	s1 =	rddreg [dreg:$0x1];
	p0 =	sne.s32 s2, $0x0  }
0xc8: {  	s3 =	rddreg [dreg:$0x2];
	[bflag:$0x3] =	sbarrier.arrive $0xFFFF;
	s2 =	simm.s32 @!p0 $0x1C0D  }
0xc9: {  	[timem:s3], [sflag:s2] =	dma.local @!p0 [hbm:s0], s1  }
0xca: {  	s0 =	simm.s32 @!p0 $0xD  }
0xcb: {  	_ =	swait.ge @!p0 [sflag:s0], s1  }
0xcc: {  	s1 =	ssub.s32 @!p0 $0x0, s1;
	[sflag:s0] =	ssyncset.done @!p0 $0x0  }
0xcd: {  	[sflag:s0] =	ssyncadd.s32 @!p0 s1  }
0xce: {  	[bflag:$0x3] =	sbarrier.arrive $0xFFFF  }
0xcf: {  	_ =	shalt  }

</sc_bundles>
